<compile_context>
chip_gen: v7x
topology: tpu7x:2x2x1
jax: 0.10.2.dev20260603
libtpu: 0.0.44.dev20260713+nightly
codegen_flags: <defaults>
</compile_context>

<pallas_src>
import functools

import jax
import jax.numpy as jnp
from jax import lax
from jax.experimental import pallas as pl
from jax.experimental.pallas import tpu as pltpu
from jax.experimental.pallas import tpu_sc as plsc

N = 10000
E = 320000
D = 128

NC = 2
NS = 16
NW = NC * NS
CPT = D // NW
CHUNK = 16000
NCHUNK = E // CHUNK
GROUPS = CHUNK // 16
UNROLL = 10

NEG = float("-inf")


def _sc_body(xt_hbm, norm_hbm, pk_hbm, out_hbm, refs):
    x_cs = refs[0:CPT]
    acc_cs = refs[CPT:2 * CPT]
    norm_v, ebuf, sem = refs[2 * CPT:]
    wid = lax.axis_index("s") * NC + lax.axis_index("c")

    for c in range(CPT):
        pltpu.sync_copy(xt_hbm.at[wid, c], x_cs[c])
    pltpu.sync_copy(norm_hbm, norm_v)

    def init_body(j, _):
        ds = pl.ds(j * 16, 16)
        nv = norm_v[ds]
        ninf = jnp.full((16,), NEG, jnp.float32)
        for c in range(CPT):
            x_cs[c][ds] = x_cs[c][ds] * nv
            acc_cs[c][ds] = ninf
        return _

    lax.fori_loop(0, N // 16, init_body, None)

    def group_front(base):
        p = ebuf[pl.ds(base, 16)]
        src = p & 16383
        dst = lax.shift_right_logical(p, 14)
        vks, dks = [], []
        for c in range(CPT):
            xv = plsc.load_gather(x_cs[c], [src])
            vk, dk = plsc.sort_key_val(xv, dst)
            vks.append(vk)
            dks.append(dk)
        return vks, dks

    def group_back(vks, dks):
        olds = [plsc.load_gather(acc_cs[c], [dks[c]]) for c in range(CPT)]
        for c in range(CPT):
            plsc.store_scatter(acc_cs[c], [dks[c]], jnp.maximum(olds[c], vks[c]))

    def chunk_body(ci, _):
        slot = (ci & 1) * CHUNK
        pltpu.make_async_copy(
            pk_hbm.at[pl.ds(ci * CHUNK, CHUNK)],
            ebuf.at[pl.ds(slot, CHUNK)],
            sem,
        ).wait()

        nxt = ci + 1

        @pl.when(nxt < NCHUNK)
        def _start_next():
            pltpu.async_copy(
                pk_hbm.at[pl.ds(nxt * CHUNK, CHUNK)],
                ebuf.at[pl.ds((nxt & 1) * CHUNK, CHUNK)],
                sem,
            )

        def group_body(g, _):
            fronts = [
                group_front(slot + (g * UNROLL + u) * 16) for u in range(UNROLL)
            ]
            for vks, dks in fronts:
                group_back(vks, dks)
            return _

        lax.fori_loop(0, GROUPS // UNROLL, group_body, None)
        return _

    pltpu.async_copy(pk_hbm.at[pl.ds(0, CHUNK)], ebuf.at[pl.ds(0, CHUNK)], sem)
    lax.fori_loop(0, NCHUNK, chunk_body, None)

    def out_body(j, _):
        ds = pl.ds(j * 16, 16)
        nv = norm_v[ds]
        for c in range(CPT):
            v = acc_cs[c][ds]
            acc_cs[c][ds] = jnp.where(v == NEG, jnp.float32(0.0), v * nv)
        return _

    lax.fori_loop(0, N // 16, out_body, None)
    for c in range(CPT):
        pltpu.sync_copy(acc_cs[c], out_hbm.at[wid, c])


@functools.partial(
    pl.kernel,
    out_type=jax.ShapeDtypeStruct((NW, CPT, N), jnp.float32),
    mesh=plsc.VectorSubcoreMesh(core_axis_name="c", subcore_axis_name="s"),
    compiler_params=pltpu.CompilerParams(needs_layout_passes=False),
    scratch_types=(
        [pltpu.VMEM((N,), jnp.float32) for _ in range(2 * CPT)]
        + [
            pltpu.VMEM((N,), jnp.float32),
            pltpu.VMEM((2 * CHUNK,), jnp.int32),
            pltpu.SemaphoreType.DMA,
        ]
    ),
)
def _sc_kernel(xt_hbm, norm_hbm, pk_hbm, out_hbm, *refs):
    _sc_body(xt_hbm, norm_hbm, pk_hbm, out_hbm, refs)


def kernel(x, norm, edge_index):
    xt = x.reshape(N, NW, CPT).transpose(1, 2, 0)
    ei = edge_index.astype(jnp.int32)
    packed = (ei[1] << 14) | ei[0]
    out = _sc_kernel(xt, norm.reshape(N), packed)
    return out.transpose(2, 0, 1).reshape(N, D)

# --- scband reference (transcript-rebuilt; emitter-appended) ---
"""Pipeline reference for scband-client-gcnconv-10703058501715 (READ-ONLY COPY).

The authoritative reference and input builder live on the scoring server;
editing this copy changes nothing except your own understanding.
"""

import jax, jax.numpy as jnp
import numpy as np

N = 10000
E = 320000
D = 128


def setup_inputs(seed: int = 0) -> dict:
    key = jax.random.key(seed)
    k1, k2, k3 = jax.random.split(key, 3)
    x = jax.random.normal(k1, (N, D), dtype=jnp.float32)
    norm = jax.random.uniform(k2, (N, 1), dtype=jnp.float32)
    edge_index = jax.random.randint(k3, (2, E), 0, N)
    return {"x": x, "norm": norm, "edge_index": edge_index}


def reference(x, norm, edge_index):
    # DGL semantics: message h = src.f * (src.norm * dst.norm); reduce = max over mailbox
    src = edge_index[0]
    dst = edge_index[1]
    w = norm[src] * norm[dst]          # [E, 1] edge weights (gather on src and dst)
    msgs = x[src] * w                  # [E, D] messages (gather + elementwise)
    out = jax.ops.segment_max(msgs, dst, num_segments=N)  # scatter-max reduce by dst
    # nodes with no incoming edges: segment_max yields -inf; DGL leaves them untouched,
    # we map them to 0 (features effectively unset -> zero)
    out = jnp.where(jnp.isneginf(out), jnp.zeros_like(out), out)
    return out

if __name__ == "__main__":
    import jax
    _d = setup_inputs()
    print(jax.jit(kernel)(*tuple(_d.values())))

</pallas_src>

<mosaic_0001>
#map = affine_map<(d0, d1) -> (0, 0, 0)>
#map1 = affine_map<(d0, d1) -> (0)>
module attributes {stable_mosaic.version = 14 : i64} {
  func.func @_sc_kernel(%arg0: i32, %arg1: i32, %arg2: memref<32x4x10000xf32, #tpu.memory_space<hbm>>, %arg3: memref<10000xf32, #tpu.memory_space<hbm>>, %arg4: memref<320000xi32, #tpu.memory_space<hbm>>, %arg5: memref<32x4x10000xf32, #tpu.memory_space<hbm>>, %arg6: memref<10000xf32, #tpu.memory_space<vmem>>, %arg7: memref<10000xf32, #tpu.memory_space<vmem>>, %arg8: memref<10000xf32, #tpu.memory_space<vmem>>, %arg9: memref<10000xf32, #tpu.memory_space<vmem>>, %arg10: memref<10000xf32, #tpu.memory_space<vmem>>, %arg11: memref<10000xf32, #tpu.memory_space<vmem>>, %arg12: memref<10000xf32, #tpu.memory_space<vmem>>, %arg13: memref<10000xf32, #tpu.memory_space<vmem>>, %arg14: memref<10000xf32, #tpu.memory_space<vmem>>, %arg15: memref<32000xi32, #tpu.memory_space<vmem>>, %arg16: memref<!tpu.dma_semaphore, #tpu.memory_space<semaphore_mem>>) attributes {dimension_semantics = [#tpu.dimension_semantics<core_parallel>, #tpu.dimension_semantics<subcore_parallel>], iteration_bounds = array<i64: 2, 16>, scalar_prefetch = 0 : i64, scratch_operands = 11 : i64, tpu.core_type = #tpu.core_type<sc_vector_subcore>, window_params = [{transform_indices = #map}, {transform_indices = #map1}, {transform_indices = #map1}, {transform_indices = #map}]} {
    %mul3A = arith.constant 2 : i32
    %mul3A_0 = arith.muli %arg1, %mul3A : i32
    %add3A = arith.addi %mul3A_0, %arg0 : i32
    %run_scoped3A = arith.constant 0 : i32
    "tpu.region"() ({
      %run_scoped3A_29 = tpu.sem_alloc : memref<!tpu.dma_semaphore, #tpu.memory_space<semaphore_mem>>
      %dma_start3A_30 = arith.constant 0 : i32
      %dma_start3A_31 = tpu.memref_slice %arg2[%add3A, %run_scoped3A, %dma_start3A_30] : memref<32x4x10000xf32, #tpu.memory_space<hbm>> -> memref<1x1x10000xf32, #tpu.memory_space<hbm>>
      %dma_start3A_32 = tpu.memref_squeeze %dma_start3A_31 : memref<1x1x10000xf32, #tpu.memory_space<hbm>> -> memref<10000xf32, #tpu.memory_space<hbm>>
      %dma_start3A_33 = arith.constant 0 : i32
      %dma_start3A_34 = tpu.memref_slice %arg2[%add3A, %run_scoped3A, %dma_start3A_33] : memref<32x4x10000xf32, #tpu.memory_space<hbm>> -> memref<1x1x10000xf32, #tpu.memory_space<hbm>>
      %dma_start3A_35 = tpu.memref_squeeze %dma_start3A_34 : memref<1x1x10000xf32, #tpu.memory_space<hbm>> -> memref<10000xf32, #tpu.memory_space<hbm>>
      tpu.enqueue_dma source(%dma_start3A_35 : memref<10000xf32, #tpu.memory_space<hbm>>) target(%arg6 : memref<10000xf32, #tpu.memory_space<vmem>>) target_semaphore(%run_scoped3A_29 : memref<!tpu.dma_semaphore, #tpu.memory_space<semaphore_mem>>)
      %dma_wait3A = arith.constant 0 : i32
      %dma_wait3A_36 = tpu.memref_slice %arg2[%add3A, %run_scoped3A, %dma_wait3A] : memref<32x4x10000xf32, #tpu.memory_space<hbm>> -> memref<1x1x10000xf32, #tpu.memory_space<hbm>>
      %dma_wait3A_37 = tpu.memref_squeeze %dma_wait3A_36 : memref<1x1x10000xf32, #tpu.memory_space<hbm>> -> memref<10000xf32, #tpu.memory_space<hbm>>
      %dma_wait3A_38 = arith.constant 0 : i32
      %dma_wait3A_39 = tpu.memref_slice %arg2[%add3A, %run_scoped3A, %dma_wait3A_38] : memref<32x4x10000xf32, #tpu.memory_space<hbm>> -> memref<1x1x10000xf32, #tpu.memory_space<hbm>>
      %dma_wait3A_40 = tpu.memref_squeeze %dma_wait3A_39 : memref<1x1x10000xf32, #tpu.memory_space<hbm>> -> memref<10000xf32, #tpu.memory_space<hbm>>
      tpu.wait_dma2 semaphore(%run_scoped3A_29 : memref<!tpu.dma_semaphore, #tpu.memory_space<semaphore_mem>>) src(%dma_wait3A_40 : memref<10000xf32, #tpu.memory_space<hbm>>) dst(%arg6 : memref<10000xf32, #tpu.memory_space<vmem>>)
      tpu.yield
    }) : () -> ()
    %run_scoped3A_1 = arith.constant 1 : i32
    "tpu.region"() ({
      %run_scoped3A_29 = tpu.sem_alloc : memref<!tpu.dma_semaphore, #tpu.memory_space<semaphore_mem>>
      %dma_start3A_30 = arith.constant 0 : i32
      %dma_start3A_31 = tpu.memref_slice %arg2[%add3A, %run_scoped3A_1, %dma_start3A_30] : memref<32x4x10000xf32, #tpu.memory_space<hbm>> -> memref<1x1x10000xf32, #tpu.memory_space<hbm>>
      %dma_start3A_32 = tpu.memref_squeeze %dma_start3A_31 : memref<1x1x10000xf32, #tpu.memory_space<hbm>> -> memref<10000xf32, #tpu.memory_space<hbm>>
      %dma_start3A_33 = arith.constant 0 : i32
      %dma_start3A_34 = tpu.memref_slice %arg2[%add3A, %run_scoped3A_1, %dma_start3A_33] : memref<32x4x10000xf32, #tpu.memory_space<hbm>> -> memref<1x1x10000xf32, #tpu.memory_space<hbm>>
      %dma_start3A_35 = tpu.memref_squeeze %dma_start3A_34 : memref<1x1x10000xf32, #tpu.memory_space<hbm>> -> memref<10000xf32, #tpu.memory_space<hbm>>
      tpu.enqueue_dma source(%dma_start3A_35 : memref<10000xf32, #tpu.memory_space<hbm>>) target(%arg7 : memref<10000xf32, #tpu.memory_space<vmem>>) target_semaphore(%run_scoped3A_29 : memref<!tpu.dma_semaphore, #tpu.memory_space<semaphore_mem>>)
      %dma_wait3A = arith.constant 0 : i32
      %dma_wait3A_36 = tpu.memref_slice %arg2[%add3A, %run_scoped3A_1, %dma_wait3A] : memref<32x4x10000xf32, #tpu.memory_space<hbm>> -> memref<1x1x10000xf32, #tpu.memory_space<hbm>>
      %dma_wait3A_37 = tpu.memref_squeeze %dma_wait3A_36 : memref<1x1x10000xf32, #tpu.memory_space<hbm>> -> memref<10000xf32, #tpu.memory_space<hbm>>
      %dma_wait3A_38 = arith.constant 0 : i32
      %dma_wait3A_39 = tpu.memref_slice %arg2[%add3A, %run_scoped3A_1, %dma_wait3A_38] : memref<32x4x10000xf32, #tpu.memory_space<hbm>> -> memref<1x1x10000xf32, #tpu.memory_space<hbm>>
      %dma_wait3A_40 = tpu.memref_squeeze %dma_wait3A_39 : memref<1x1x10000xf32, #tpu.memory_space<hbm>> -> memref<10000xf32, #tpu.memory_space<hbm>>
      tpu.wait_dma2 semaphore(%run_scoped3A_29 : memref<!tpu.dma_semaphore, #tpu.memory_space<semaphore_mem>>) src(%dma_wait3A_40 : memref<10000xf32, #tpu.memory_space<hbm>>) dst(%arg7 : memref<10000xf32, #tpu.memory_space<vmem>>)
      tpu.yield
    }) : () -> ()
    %run_scoped3A_2 = arith.constant 2 : i32
    "tpu.region"() ({
      %run_scoped3A_29 = tpu.sem_alloc : memref<!tpu.dma_semaphore, #tpu.memory_space<semaphore_mem>>
      %dma_start3A_30 = arith.constant 0 : i32
      %dma_start3A_31 = tpu.memref_slice %arg2[%add3A, %run_scoped3A_2, %dma_start3A_30] : memref<32x4x10000xf32, #tpu.memory_space<hbm>> -> memref<1x1x10000xf32, #tpu.memory_space<hbm>>
      %dma_start3A_32 = tpu.memref_squeeze %dma_start3A_31 : memref<1x1x10000xf32, #tpu.memory_space<hbm>> -> memref<10000xf32, #tpu.memory_space<hbm>>
      %dma_start3A_33 = arith.constant 0 : i32
      %dma_start3A_34 = tpu.memref_slice %arg2[%add3A, %run_scoped3A_2, %dma_start3A_33] : memref<32x4x10000xf32, #tpu.memory_space<hbm>> -> memref<1x1x10000xf32, #tpu.memory_space<hbm>>
      %dma_start3A_35 = tpu.memref_squeeze %dma_start3A_34 : memref<1x1x10000xf32, #tpu.memory_space<hbm>> -> memref<10000xf32, #tpu.memory_space<hbm>>
      tpu.enqueue_dma source(%dma_start3A_35 : memref<10000xf32, #tpu.memory_space<hbm>>) target(%arg8 : memref<10000xf32, #tpu.memory_space<vmem>>) target_semaphore(%run_scoped3A_29 : memref<!tpu.dma_semaphore, #tpu.memory_space<semaphore_mem>>)
      %dma_wait3A = arith.constant 0 : i32
      %dma_wait3A_36 = tpu.memref_slice %arg2[%add3A, %run_scoped3A_2, %dma_wait3A] : memref<32x4x10000xf32, #tpu.memory_space<hbm>> -> memref<1x1x10000xf32, #tpu.memory_space<hbm>>
      %dma_wait3A_37 = tpu.memref_squeeze %dma_wait3A_36 : memref<1x1x10000xf32, #tpu.memory_space<hbm>> -> memref<10000xf32, #tpu.memory_space<hbm>>
      %dma_wait3A_38 = arith.constant 0 : i32
      %dma_wait3A_39 = tpu.memref_slice %arg2[%add3A, %run_scoped3A_2, %dma_wait3A_38] : memref<32x4x10000xf32, #tpu.memory_space<hbm>> -> memref<1x1x10000xf32, #tpu.memory_space<hbm>>
      %dma_wait3A_40 = tpu.memref_squeeze %dma_wait3A_39 : memref<1x1x10000xf32, #tpu.memory_space<hbm>> -> memref<10000xf32, #tpu.memory_space<hbm>>
      tpu.wait_dma2 semaphore(%run_scoped3A_29 : memref<!tpu.dma_semaphore, #tpu.memory_space<semaphore_mem>>) src(%dma_wait3A_40 : memref<10000xf32, #tpu.memory_space<hbm>>) dst(%arg8 : memref<10000xf32, #tpu.memory_space<vmem>>)
      tpu.yield
    }) : () -> ()
    %run_scoped3A_3 = arith.constant 3 : i32
    "tpu.region"() ({
      %run_scoped3A_29 = tpu.sem_alloc : memref<!tpu.dma_semaphore, #tpu.memory_space<semaphore_mem>>
      %dma_start3A_30 = arith.constant 0 : i32
      %dma_start3A_31 = tpu.memref_slice %arg2[%add3A, %run_scoped3A_3, %dma_start3A_30] : memref<32x4x10000xf32, #tpu.memory_space<hbm>> -> memref<1x1x10000xf32, #tpu.memory_space<hbm>>
      %dma_start3A_32 = tpu.memref_squeeze %dma_start3A_31 : memref<1x1x10000xf32, #tpu.memory_space<hbm>> -> memref<10000xf32, #tpu.memory_space<hbm>>
      %dma_start3A_33 = arith.constant 0 : i32
      %dma_start3A_34 = tpu.memref_slice %arg2[%add3A, %run_scoped3A_3, %dma_start3A_33] : memref<32x4x10000xf32, #tpu.memory_space<hbm>> -> memref<1x1x10000xf32, #tpu.memory_space<hbm>>
      %dma_start3A_35 = tpu.memref_squeeze %dma_start3A_34 : memref<1x1x10000xf32, #tpu.memory_space<hbm>> -> memref<10000xf32, #tpu.memory_space<hbm>>
      tpu.enqueue_dma source(%dma_start3A_35 : memref<10000xf32, #tpu.memory_space<hbm>>) target(%arg9 : memref<10000xf32, #tpu.memory_space<vmem>>) target_semaphore(%run_scoped3A_29 : memref<!tpu.dma_semaphore, #tpu.memory_space<semaphore_mem>>)
      %dma_wait3A = arith.constant 0 : i32
      %dma_wait3A_36 = tpu.memref_slice %arg2[%add3A, %run_scoped3A_3, %dma_wait3A] : memref<32x4x10000xf32, #tpu.memory_space<hbm>> -> memref<1x1x10000xf32, #tpu.memory_space<hbm>>
      %dma_wait3A_37 = tpu.memref_squeeze %dma_wait3A_36 : memref<1x1x10000xf32, #tpu.memory_space<hbm>> -> memref<10000xf32, #tpu.memory_space<hbm>>
      %dma_wait3A_38 = arith.constant 0 : i32
      %dma_wait3A_39 = tpu.memref_slice %arg2[%add3A, %run_scoped3A_3, %dma_wait3A_38] : memref<32x4x10000xf32, #tpu.memory_space<hbm>> -> memref<1x1x10000xf32, #tpu.memory_space<hbm>>
      %dma_wait3A_40 = tpu.memref_squeeze %dma_wait3A_39 : memref<1x1x10000xf32, #tpu.memory_space<hbm>> -> memref<10000xf32, #tpu.memory_space<hbm>>
      tpu.wait_dma2 semaphore(%run_scoped3A_29 : memref<!tpu.dma_semaphore, #tpu.memory_space<semaphore_mem>>) src(%dma_wait3A_40 : memref<10000xf32, #tpu.memory_space<hbm>>) dst(%arg9 : memref<10000xf32, #tpu.memory_space<vmem>>)
      tpu.yield
    }) : () -> ()
    "tpu.region"() ({
      %run_scoped3A_29 = tpu.sem_alloc : memref<!tpu.dma_semaphore, #tpu.memory_space<semaphore_mem>>
      tpu.enqueue_dma source(%arg3 : memref<10000xf32, #tpu.memory_space<hbm>>) target(%arg14 : memref<10000xf32, #tpu.memory_space<vmem>>) target_semaphore(%run_scoped3A_29 : memref<!tpu.dma_semaphore, #tpu.memory_space<semaphore_mem>>)
      tpu.wait_dma2 semaphore(%run_scoped3A_29 : memref<!tpu.dma_semaphore, #tpu.memory_space<semaphore_mem>>) src(%arg3 : memref<10000xf32, #tpu.memory_space<hbm>>) dst(%arg14 : memref<10000xf32, #tpu.memory_space<vmem>>)
      tpu.yield
    }) : () -> ()
    %scan3A = arith.constant 0 : i32
    %scan3A_4 = arith.constant 625 : i32
    %scan3A_5 = arith.addi %scan3A, %scan3A_4 : i32
    %scan3A_6 = arith.constant 1 : i32
    scf.for %scan3A_29 = %scan3A to %scan3A_5 step %scan3A_6  : i32 {
      %mul3A_30 = arith.constant 16 : i32
      %mul3A_31 = arith.muli %scan3A_29, %mul3A_30 : i32
      %get3A = arith.index_cast %mul3A_31 : i32 to index
      %get3A_32 = tpu.vector_load %arg14[%get3A] {strides = array<i32>} : memref<10000xf32, #tpu.memory_space<vmem>>, vector<16xf32>,
      %broadcast_in_dim3A = arith.constant 0xFF800000 : f32
      %broadcast_in_dim3A_33 = vector.broadcast %broadcast_in_dim3A : f32 to vector<16xf32>
      %get3A_34 = arith.index_cast %mul3A_31 : i32 to index
      %get3A_35 = tpu.vector_load %arg6[%get3A_34] {strides = array<i32>} : memref<10000xf32, #tpu.memory_space<vmem>>, vector<16xf32>,
      %mul3A_36 = arith.mulf %get3A_35, %get3A_32 : vector<16xf32>
      %swap3A = arith.index_cast %mul3A_31 : i32 to index
      %swap3A_37 = tpu.vector_load %arg6[%swap3A] {strides = array<i32>} : memref<10000xf32, #tpu.memory_space<vmem>>, vector<16xf32>,
      tpu.vector_store %arg6[%swap3A], %mul3A_36 {strides = array<i32>} : memref<10000xf32, #tpu.memory_space<vmem>>, vector<16xf32>,
      %swap3A_38 = arith.index_cast %mul3A_31 : i32 to index
      %swap3A_39 = tpu.vector_load %arg10[%swap3A_38] {strides = array<i32>} : memref<10000xf32, #tpu.memory_space<vmem>>, vector<16xf32>,
      tpu.vector_store %arg10[%swap3A_38], %broadcast_in_dim3A_33 {strides = array<i32>} : memref<10000xf32, #tpu.memory_space<vmem>>, vector<16xf32>,
      %get3A_40 = arith.index_cast %mul3A_31 : i32 to index
      %get3A_41 = tpu.vector_load %arg7[%get3A_40] {strides = array<i32>} : memref<10000xf32, #tpu.memory_space<vmem>>, vector<16xf32>,
      %mul3A_42 = arith.mulf %get3A_41, %get3A_32 : vector<16xf32>
      %swap3A_43 = arith.index_cast %mul3A_31 : i32 to index
      %swap3A_44 = tpu.vector_load %arg7[%swap3A_43] {strides = array<i32>} : memref<10000xf32, #tpu.memory_space<vmem>>, vector<16xf32>,
      tpu.vector_store %arg7[%swap3A_43], %mul3A_42 {strides = array<i32>} : memref<10000xf32, #tpu.memory_space<vmem>>, vector<16xf32>,
      %swap3A_45 = arith.index_cast %mul3A_31 : i32 to index
      %swap3A_46 = tpu.vector_load %arg11[%swap3A_45] {strides = array<i32>} : memref<10000xf32, #tpu.memory_space<vmem>>, vector<16xf32>,
      tpu.vector_store %arg11[%swap3A_45], %broadcast_in_dim3A_33 {strides = array<i32>} : memref<10000xf32, #tpu.memory_space<vmem>>, vector<16xf32>,
      %get3A_47 = arith.index_cast %mul3A_31 : i32 to index
      %get3A_48 = tpu.vector_load %arg8[%get3A_47] {strides = array<i32>} : memref<10000xf32, #tpu.memory_space<vmem>>, vector<16xf32>,
      %mul3A_49 = arith.mulf %get3A_48, %get3A_32 : vector<16xf32>
      %swap3A_50 = arith.index_cast %mul3A_31 : i32 to index
      %swap3A_51 = tpu.vector_load %arg8[%swap3A_50] {strides = array<i32>} : memref<10000xf32, #tpu.memory_space<vmem>>, vector<16xf32>,
      tpu.vector_store %arg8[%swap3A_50], %mul3A_49 {strides = array<i32>} : memref<10000xf32, #tpu.memory_space<vmem>>, vector<16xf32>,
      %swap3A_52 = arith.index_cast %mul3A_31 : i32 to index
      %swap3A_53 = tpu.vector_load %arg12[%swap3A_52] {strides = array<i32>} : memref<10000xf32, #tpu.memory_space<vmem>>, vector<16xf32>,
      tpu.vector_store %arg12[%swap3A_52], %broadcast_in_dim3A_33 {strides = array<i32>} : memref<10000xf32, #tpu.memory_space<vmem>>, vector<16xf32>,
      %get3A_54 = arith.index_cast %mul3A_31 : i32 to index
      %get3A_55 = tpu.vector_load %arg9[%get3A_54] {strides = array<i32>} : memref<10000xf32, #tpu.memory_space<vmem>>, vector<16xf32>,
      %mul3A_56 = arith.mulf %get3A_55, %get3A_32 : vector<16xf32>
      %swap3A_57 = arith.index_cast %mul3A_31 : i32 to index
      %swap3A_58 = tpu.vector_load %arg9[%swap3A_57] {strides = array<i32>} : memref<10000xf32, #tpu.memory_space<vmem>>, vector<16xf32>,
      tpu.vector_store %arg9[%swap3A_57], %mul3A_56 {strides = array<i32>} : memref<10000xf32, #tpu.memory_space<vmem>>, vector<16xf32>,
      %swap3A_59 = arith.index_cast %mul3A_31 : i32 to index
      %swap3A_60 = tpu.vector_load %arg13[%swap3A_59] {strides = array<i32>} : memref<10000xf32, #tpu.memory_space<vmem>>, vector<16xf32>,
      tpu.vector_store %arg13[%swap3A_59], %broadcast_in_dim3A_33 {strides = array<i32>} : memref<10000xf32, #tpu.memory_space<vmem>>, vector<16xf32>,
    }
    %scan3A_7 = arith.constant 625 : i32
    %dma_start3A = arith.constant 0 : i32
    %dma_start3A_8 = tpu.memref_slice %arg15[%dma_start3A] : memref<32000xi32, #tpu.memory_space<vmem>> -> memref<16000xi32, #tpu.memory_space<vmem>>
    %dma_start3A_9 = arith.constant 0 : i32
    %dma_start3A_10 = tpu.memref_slice %arg4[%dma_start3A_9] : memref<320000xi32, #tpu.memory_space<hbm>> -> memref<16000xi32, #tpu.memory_space<hbm>>
    %dma_start3A_11 = arith.constant 0 : i32
    %dma_start3A_12 = tpu.memref_slice %arg15[%dma_start3A_11] : memref<32000xi32, #tpu.memory_space<vmem>> -> memref<16000xi32, #tpu.memory_space<vmem>>
    %dma_start3A_13 = arith.constant 0 : i32
    %dma_start3A_14 = tpu.memref_slice %arg4[%dma_start3A_13] : memref<320000xi32, #tpu.memory_space<hbm>> -> memref<16000xi32, #tpu.memory_space<hbm>>
    tpu.enqueue_dma source(%dma_start3A_14 : memref<16000xi32, #tpu.memory_space<hbm>>) target(%dma_start3A_12 : memref<16000xi32, #tpu.memory_space<vmem>>) target_semaphore(%arg16 : memref<!tpu.dma_semaphore, #tpu.memory_space<semaphore_mem>>)
    %scan3A_15 = arith.constant 0 : i32
    %scan3A_16 = arith.constant 20 : i32
    %scan3A_17 = arith.addi %scan3A_15, %scan3A_16 : i32
    %scan3A_18 = arith.constant 1 : i32
    scf.for %scan3A_29 = %scan3A_15 to %scan3A_17 step %scan3A_18  : i32 {
      %and3A = arith.constant 1 : i32
      %and3A_30 = arith.andi %scan3A_29, %and3A : i32
      %mul3A_31 = arith.constant 16000 : i32
      %mul3A_32 = arith.muli %and3A_30, %mul3A_31 : i32
      %mul3A_33 = arith.constant 16000 : i32
      %mul3A_34 = arith.muli %scan3A_29, %mul3A_33 : i32
      %dma_wait3A = tpu.memref_slice %arg15[%mul3A_32] : memref<32000xi32, #tpu.memory_space<vmem>> -> memref<16000xi32, #tpu.memory_space<vmem>>
      %dma_wait3A_35 = tpu.memref_slice %arg4[%mul3A_34] : memref<320000xi32, #tpu.memory_space<hbm>> -> memref<16000xi32, #tpu.memory_space<hbm>>
      %dma_wait3A_36 = tpu.memref_slice %arg15[%mul3A_32] : memref<32000xi32, #tpu.memory_space<vmem>> -> memref<16000xi32, #tpu.memory_space<vmem>>
      %dma_wait3A_37 = tpu.memref_slice %arg4[%mul3A_34] : memref<320000xi32, #tpu.memory_space<hbm>> -> memref<16000xi32, #tpu.memory_space<hbm>>
      tpu.wait_dma2 semaphore(%arg16 : memref<!tpu.dma_semaphore, #tpu.memory_space<semaphore_mem>>) src(%dma_wait3A_37 : memref<16000xi32, #tpu.memory_space<hbm>>) dst(%dma_wait3A_36 : memref<16000xi32, #tpu.memory_space<vmem>>)
      %add3A_38 = arith.constant 1 : i32
      %add3A_39 = arith.addi %scan3A_29, %add3A_38 : i32
      %lt3A = arith.constant 20 : i32
      %lt3A_40 = arith.cmpi slt, %add3A_39, %lt3A : i32
      %convert_element_type3A = arith.extui %lt3A_40 : i1 to i32
      %cond3A = arith.constant 0 : i32
      %cond3A_41 = arith.cmpi ne, %convert_element_type3A, %cond3A : i32
      scf.if %cond3A_41 {
        %mul3A_47 = arith.constant 16000 : i32
        %mul3A_48 = arith.muli %add3A_39, %mul3A_47 : i32
        %and3A_49 = arith.constant 1 : i32
        %and3A_50 = arith.andi %add3A_39, %and3A_49 : i32
        %mul3A_51 = arith.constant 16000 : i32
        %mul3A_52 = arith.muli %and3A_50, %mul3A_51 : i32
        %dma_start3A_53 = tpu.memref_slice %arg15[%mul3A_52] : memref<32000xi32, #tpu.memory_space<vmem>> -> memref<16000xi32, #tpu.memory_space<vmem>>
        %dma_start3A_54 = tpu.memref_slice %arg4[%mul3A_48] : memref<320000xi32, #tpu.memory_space<hbm>> -> memref<16000xi32, #tpu.memory_space<hbm>>
        %dma_start3A_55 = tpu.memref_slice %arg15[%mul3A_52] : memref<32000xi32, #tpu.memory_space<vmem>> -> memref<16000xi32, #tpu.memory_space<vmem>>
        %dma_start3A_56 = tpu.memref_slice %arg4[%mul3A_48] : memref<320000xi32, #tpu.memory_space<hbm>> -> memref<16000xi32, #tpu.memory_space<hbm>>
        tpu.enqueue_dma source(%dma_start3A_56 : memref<16000xi32, #tpu.memory_space<hbm>>) target(%dma_start3A_55 : memref<16000xi32, #tpu.memory_space<vmem>>) target_semaphore(%arg16 : memref<!tpu.dma_semaphore, #tpu.memory_space<semaphore_mem>>)
      } else {
      }
      %scan3A_42 = arith.constant 0 : i32
      %scan3A_43 = arith.constant 100 : i32
      %scan3A_44 = arith.addi %scan3A_42, %scan3A_43 : i32
      %scan3A_45 = arith.constant 1 : i32
      scf.for %scan3A_47 = %scan3A_42 to %scan3A_44 step %scan3A_45  : i32 {
        %mul3A_48 = arith.constant 10 : i32
        %mul3A_49 = arith.muli %scan3A_47, %mul3A_48 : i32
        %add3A_50 = arith.constant 0 : i32
        %add3A_51 = arith.addi %mul3A_49, %add3A_50 : i32
        %mul3A_52 = arith.constant 16 : i32
        %mul3A_53 = arith.muli %add3A_51, %mul3A_52 : i32
        %add3A_54 = arith.addi %mul3A_32, %mul3A_53 : i32
        %get3A = arith.index_cast %add3A_54 : i32 to index
        %get3A_55 = tpu.vector_load %arg15[%get3A] {strides = array<i32>} : memref<32000xi32, #tpu.memory_space<vmem>>, vector<16xi32>,
        %and3A_56 = arith.constant 16383 : i32
        %and3A_57 = vector.broadcast %and3A_56 : i32 to vector<16xi32>
        %and3A_58 = arith.andi %get3A_55, %and3A_57 : vector<16xi32>
        %shift_right_logical3A = arith.constant 14 : i32
        %shift_right_logical3A_59 = vector.broadcast %shift_right_logical3A : i32 to vector<16xi32>
        %shift_right_logical3A_60 = arith.shrui %get3A_55, %shift_right_logical3A_59 : vector<16xi32>
        %gather3A = tpu.vector_load_idx %arg6[%and3A_58] : memref<10000xf32, #tpu.memory_space<vmem>>[vector<16xi32>], vector<16xf32>,
        %masked_sort3A = arith.constant dense<true> : vector<16xi1>
        %masked_sort3A_61, %masked_sort3A_62, %masked_sort3A_63 = tpu.sort %gather3A, %shift_right_logical3A_60 masked %masked_sort3A : (vector<16xf32>, vector<16xi32>, vector<16xi1>) -> (vector<16xi1>, vector<16xf32>, vector<16xi32>)
        %gather3A_64 = tpu.vector_load_idx %arg7[%and3A_58] : memref<10000xf32, #tpu.memory_space<vmem>>[vector<16xi32>], vector<16xf32>,
        %masked_sort3A_65 = arith.constant dense<true> : vector<16xi1>
        %masked_sort3A_66, %masked_sort3A_67, %masked_sort3A_68 = tpu.sort %gather3A_64, %shift_right_logical3A_60 masked %masked_sort3A_65 : (vector<16xf32>, vector<16xi32>, vector<16xi1>) -> (vector<16xi1>, vector<16xf32>, vector<16xi32>)
        %gather3A_69 = tpu.vector_load_idx %arg8[%and3A_58] : memref<10000xf32, #tpu.memory_space<vmem>>[vector<16xi32>], vector<16xf32>,
        %masked_sort3A_70 = arith.constant dense<true> : vector<16xi1>
        %masked_sort3A_71, %masked_sort3A_72, %masked_sort3A_73 = tpu.sort %gather3A_69, %shift_right_logical3A_60 masked %masked_sort3A_70 : (vector<16xf32>, vector<16xi32>, vector<16xi1>) -> (vector<16xi1>, vector<16xf32>, vector<16xi32>)
        %gather3A_74 = tpu.vector_load_idx %arg9[%and3A_58] : memref<10000xf32, #tpu.memory_space<vmem>>[vector<16xi32>], vector<16xf32>,
        %masked_sort3A_75 = arith.constant dense<true> : vector<16xi1>
        %masked_sort3A_76, %masked_sort3A_77, %masked_sort3A_78 = tpu.sort %gather3A_74, %shift_right_logical3A_60 masked %masked_sort3A_75 : (vector<16xf32>, vector<16xi32>, vector<16xi1>) -> (vector<16xi1>, vector<16xf32>, vector<16xi32>)
        %mul3A_79 = arith.constant 10 : i32
        %mul3A_80 = arith.muli %scan3A_47, %mul3A_79 : i32
        %add3A_81 = arith.constant 1 : i32
        %add3A_82 = arith.addi %mul3A_80, %add3A_81 : i32
        %mul3A_83 = arith.constant 16 : i32
        %mul3A_84 = arith.muli %add3A_82, %mul3A_83 : i32
        %add3A_85 = arith.addi %mul3A_32, %mul3A_84 : i32
        %get3A_86 = arith.index_cast %add3A_85 : i32 to index
        %get3A_87 = tpu.vector_load %arg15[%get3A_86] {strides = array<i32>} : memref<32000xi32, #tpu.memory_space<vmem>>, vector<16xi32>,
        %and3A_88 = arith.constant 16383 : i32
        %and3A_89 = vector.broadcast %and3A_88 : i32 to vector<16xi32>
        %and3A_90 = arith.andi %get3A_87, %and3A_89 : vector<16xi32>
        %shift_right_logical3A_91 = arith.constant 14 : i32
        %shift_right_logical3A_92 = vector.broadcast %shift_right_logical3A_91 : i32 to vector<16xi32>
        %shift_right_logical3A_93 = arith.shrui %get3A_87, %shift_right_logical3A_92 : vector<16xi32>
        %gather3A_94 = tpu.vector_load_idx %arg6[%and3A_90] : memref<10000xf32, #tpu.memory_space<vmem>>[vector<16xi32>], vector<16xf32>,
        %masked_sort3A_95 = arith.constant dense<true> : vector<16xi1>
        %masked_sort3A_96, %masked_sort3A_97, %masked_sort3A_98 = tpu.sort %gather3A_94, %shift_right_logical3A_93 masked %masked_sort3A_95 : (vector<16xf32>, vector<16xi32>, vector<16xi1>) -> (vector<16xi1>, vector<16xf32>, vector<16xi32>)
        %gather3A_99 = tpu.vector_load_idx %arg7[%and3A_90] : memref<10000xf32, #tpu.memory_space<vmem>>[vector<16xi32>], vector<16xf32>,
        %masked_sort3A_100 = arith.constant dense<true> : vector<16xi1>
        %masked_sort3A_101, %masked_sort3A_102, %masked_sort3A_103 = tpu.sort %gather3A_99, %shift_right_logical3A_93 masked %masked_sort3A_100 : (vector<16xf32>, vector<16xi32>, vector<16xi1>) -> (vector<16xi1>, vector<16xf32>, vector<16xi32>)
        %gather3A_104 = tpu.vector_load_idx %arg8[%and3A_90] : memref<10000xf32, #tpu.memory_space<vmem>>[vector<16xi32>], vector<16xf32>,
        %masked_sort3A_105 = arith.constant dense<true> : vector<16xi1>
        %masked_sort3A_106, %masked_sort3A_107, %masked_sort3A_108 = tpu.sort %gather3A_104, %shift_right_logical3A_93 masked %masked_sort3A_105 : (vector<16xf32>, vector<16xi32>, vector<16xi1>) -> (vector<16xi1>, vector<16xf32>, vector<16xi32>)
        %gather3A_109 = tpu.vector_load_idx %arg9[%and3A_90] : memref<10000xf32, #tpu.memory_space<vmem>>[vector<16xi32>], vector<16xf32>,
        %masked_sort3A_110 = arith.constant dense<true> : vector<16xi1>
        %masked_sort3A_111, %masked_sort3A_112, %masked_sort3A_113 = tpu.sort %gather3A_109, %shift_right_logical3A_93 masked %masked_sort3A_110 : (vector<16xf32>, vector<16xi32>, vector<16xi1>) -> (vector<16xi1>, vector<16xf32>, vector<16xi32>)
        %mul3A_114 = arith.constant 10 : i32
        %mul3A_115 = arith.muli %scan3A_47, %mul3A_114 : i32
        %add3A_116 = arith.constant 2 : i32
        %add3A_117 = arith.addi %mul3A_115, %add3A_116 : i32
        %mul3A_118 = arith.constant 16 : i32
        %mul3A_119 = arith.muli %add3A_117, %mul3A_118 : i32
        %add3A_120 = arith.addi %mul3A_32, %mul3A_119 : i32
        %get3A_121 = arith.index_cast %add3A_120 : i32 to index
        %get3A_122 = tpu.vector_load %arg15[%get3A_121] {strides = array<i32>} : memref<32000xi32, #tpu.memory_space<vmem>>, vector<16xi32>,
        %and3A_123 = arith.constant 16383 : i32
        %and3A_124 = vector.broadcast %and3A_123 : i32 to vector<16xi32>
        %and3A_125 = arith.andi %get3A_122, %and3A_124 : vector<16xi32>
        %shift_right_logical3A_126 = arith.constant 14 : i32
        %shift_right_logical3A_127 = vector.broadcast %shift_right_logical3A_126 : i32 to vector<16xi32>
        %shift_right_logical3A_128 = arith.shrui %get3A_122, %shift_right_logical3A_127 : vector<16xi32>
        %gather3A_129 = tpu.vector_load_idx %arg6[%and3A_125] : memref<10000xf32, #tpu.memory_space<vmem>>[vector<16xi32>], vector<16xf32>,
        %masked_sort3A_130 = arith.constant dense<true> : vector<16xi1>
        %masked_sort3A_131, %masked_sort3A_132, %masked_sort3A_133 = tpu.sort %gather3A_129, %shift_right_logical3A_128 masked %masked_sort3A_130 : (vector<16xf32>, vector<16xi32>, vector<16xi1>) -> (vector<16xi1>, vector<16xf32>, vector<16xi32>)
        %gather3A_134 = tpu.vector_load_idx %arg7[%and3A_125] : memref<10000xf32, #tpu.memory_space<vmem>>[vector<16xi32>], vector<16xf32>,
        %masked_sort3A_135 = arith.constant dense<true> : vector<16xi1>
        %masked_sort3A_136, %masked_sort3A_137, %masked_sort3A_138 = tpu.sort %gather3A_134, %shift_right_logical3A_128 masked %masked_sort3A_135 : (vector<16xf32>, vector<16xi32>, vector<16xi1>) -> (vector<16xi1>, vector<16xf32>, vector<16xi32>)
        %gather3A_139 = tpu.vector_load_idx %arg8[%and3A_125] : memref<10000xf32, #tpu.memory_space<vmem>>[vector<16xi32>], vector<16xf32>,
        %masked_sort3A_140 = arith.constant dense<true> : vector<16xi1>
        %masked_sort3A_141, %masked_sort3A_142, %masked_sort3A_143 = tpu.sort %gather3A_139, %shift_right_logical3A_128 masked %masked_sort3A_140 : (vector<16xf32>, vector<16xi32>, vector<16xi1>) -> (vector<16xi1>, vector<16xf32>, vector<16xi32>)
        %gather3A_144 = tpu.vector_load_idx %arg9[%and3A_125] : memref<10000xf32, #tpu.memory_space<vmem>>[vector<16xi32>], vector<16xf32>,
        %masked_sort3A_145 = arith.constant dense<true> : vector<16xi1>
        %masked_sort3A_146, %masked_sort3A_147, %masked_sort3A_148 = tpu.sort %gather3A_144, %shift_right_logical3A_128 masked %masked_sort3A_145 : (vector<16xf32>, vector<16xi32>, vector<16xi1>) -> (vector<16xi1>, vector<16xf32>, vector<16xi32>)
        %mul3A_149 = arith.constant 10 : i32
        %mul3A_150 = arith.muli %scan3A_47, %mul3A_149 : i32
        %add3A_151 = arith.constant 3 : i32
        %add3A_152 = arith.addi %mul3A_150, %add3A_151 : i32
        %mul3A_153 = arith.constant 16 : i32
        %mul3A_154 = arith.muli %add3A_152, %mul3A_153 : i32
        %add3A_155 = arith.addi %mul3A_32, %mul3A_154 : i32
        %get3A_156 = arith.index_cast %add3A_155 : i32 to index
        %get3A_157 = tpu.vector_load %arg15[%get3A_156] {strides = array<i32>} : memref<32000xi32, #tpu.memory_space<vmem>>, vector<16xi32>,
        %and3A_158 = arith.constant 16383 : i32
        %and3A_159 = vector.broadcast %and3A_158 : i32 to vector<16xi32>
        %and3A_160 = arith.andi %get3A_157, %and3A_159 : vector<16xi32>
        %shift_right_logical3A_161 = arith.constant 14 : i32
        %shift_right_logical3A_162 = vector.broadcast %shift_right_logical3A_161 : i32 to vector<16xi32>
        %shift_right_logical3A_163 = arith.shrui %get3A_157, %shift_right_logical3A_162 : vector<16xi32>
        %gather3A_164 = tpu.vector_load_idx %arg6[%and3A_160] : memref<10000xf32, #tpu.memory_space<vmem>>[vector<16xi32>], vector<16xf32>,
        %masked_sort3A_165 = arith.constant dense<true> : vector<16xi1>
        %masked_sort3A_166, %masked_sort3A_167, %masked_sort3A_168 = tpu.sort %gather3A_164, %shift_right_logical3A_163 masked %masked_sort3A_165 : (vector<16xf32>, vector<16xi32>, vector<16xi1>) -> (vector<16xi1>, vector<16xf32>, vector<16xi32>)
        %gather3A_169 = tpu.vector_load_idx %arg7[%and3A_160] : memref<10000xf32, #tpu.memory_space<vmem>>[vector<16xi32>], vector<16xf32>,
        %masked_sort3A_170 = arith.constant dense<true> : vector<16xi1>
        %masked_sort3A_171, %masked_sort3A_172, %masked_sort3A_173 = tpu.sort %gather3A_169, %shift_right_logical3A_163 masked %masked_sort3A_170 : (vector<16xf32>, vector<16xi32>, vector<16xi1>) -> (vector<16xi1>, vector<16xf32>, vector<16xi32>)
        %gather3A_174 = tpu.vector_load_idx %arg8[%and3A_160] : memref<10000xf32, #tpu.memory_space<vmem>>[vector<16xi32>], vector<16xf32>,
        %masked_sort3A_175 = arith.constant dense<true> : vector<16xi1>
        %masked_sort3A_176, %masked_sort3A_177, %masked_sort3A_178 = tpu.sort %gather3A_174, %shift_right_logical3A_163 masked %masked_sort3A_175 : (vector<16xf32>, vector<16xi32>, vector<16xi1>) -> (vector<16xi1>, vector<16xf32>, vector<16xi32>)
        %gather3A_179 = tpu.vector_load_idx %arg9[%and3A_160] : memref<10000xf32, #tpu.memory_space<vmem>>[vector<16xi32>], vector<16xf32>,
        %masked_sort3A_180 = arith.constant dense<true> : vector<16xi1>
        %masked_sort3A_181, %masked_sort3A_182, %masked_sort3A_183 = tpu.sort %gather3A_179, %shift_right_logical3A_163 masked %masked_sort3A_180 : (vector<16xf32>, vector<16xi32>, vector<16xi1>) -> (vector<16xi1>, vector<16xf32>, vector<16xi32>)
        %mul3A_184 = arith.constant 10 : i32
        %mul3A_185 = arith.muli %scan3A_47, %mul3A_184 : i32
        %add3A_186 = arith.constant 4 : i32
        %add3A_187 = arith.addi %mul3A_185, %add3A_186 : i32
        %mul3A_188 = arith.constant 16 : i32
        %mul3A_189 = arith.muli %add3A_187, %mul3A_188 : i32
        %add3A_190 = arith.addi %mul3A_32, %mul3A_189 : i32
        %get3A_191 = arith.index_cast %add3A_190 : i32 to index
        %get3A_192 = tpu.vector_load %arg15[%get3A_191] {strides = array<i32>} : memref<32000xi32, #tpu.memory_space<vmem>>, vector<16xi32>,
        %and3A_193 = arith.constant 16383 : i32
        %and3A_194 = vector.broadcast %and3A_193 : i32 to vector<16xi32>
        %and3A_195 = arith.andi %get3A_192, %and3A_194 : vector<16xi32>
        %shift_right_logical3A_196 = arith.constant 14 : i32
        %shift_right_logical3A_197 = vector.broadcast %shift_right_logical3A_196 : i32 to vector<16xi32>
        %shift_right_logical3A_198 = arith.shrui %get3A_192, %shift_right_logical3A_197 : vector<16xi32>
        %gather3A_199 = tpu.vector_load_idx %arg6[%and3A_195] : memref<10000xf32, #tpu.memory_space<vmem>>[vector<16xi32>], vector<16xf32>,
        %masked_sort3A_200 = arith.constant dense<true> : vector<16xi1>
        %masked_sort3A_201, %masked_sort3A_202, %masked_sort3A_203 = tpu.sort %gather3A_199, %shift_right_logical3A_198 masked %masked_sort3A_200 : (vector<16xf32>, vector<16xi32>, vector<16xi1>) -> (vector<16xi1>, vector<16xf32>, vector<16xi32>)
        %gather3A_204 = tpu.vector_load_idx %arg7[%and3A_195] : memref<10000xf32, #tpu.memory_space<vmem>>[vector<16xi32>], vector<16xf32>,
        %masked_sort3A_205 = arith.constant dense<true> : vector<16xi1>
        %masked_sort3A_206, %masked_sort3A_207, %masked_sort3A_208 = tpu.sort %gather3A_204, %shift_right_logical3A_198 masked %masked_sort3A_205 : (vector<16xf32>, vector<16xi32>, vector<16xi1>) -> (vector<16xi1>, vector<16xf32>, vector<16xi32>)
        %gather3A_209 = tpu.vector_load_idx %arg8[%and3A_195] : memref<10000xf32, #tpu.memory_space<vmem>>[vector<16xi32>], vector<16xf32>,
        %masked_sort3A_210 = arith.constant dense<true> : vector<16xi1>
        %masked_sort3A_211, %masked_sort3A_212, %masked_sort3A_213 = tpu.sort %gather3A_209, %shift_right_logical3A_198 masked %masked_sort3A_210 : (vector<16xf32>, vector<16xi32>, vector<16xi1>) -> (vector<16xi1>, vector<16xf32>, vector<16xi32>)
        %gather3A_214 = tpu.vector_load_idx %arg9[%and3A_195] : memref<10000xf32, #tpu.memory_space<vmem>>[vector<16xi32>], vector<16xf32>,
        %masked_sort3A_215 = arith.constant dense<true> : vector<16xi1>
        %masked_sort3A_216, %masked_sort3A_217, %masked_sort3A_218 = tpu.sort %gather3A_214, %shift_right_logical3A_198 masked %masked_sort3A_215 : (vector<16xf32>, vector<16xi32>, vector<16xi1>) -> (vector<16xi1>, vector<16xf32>, vector<16xi32>)
        %mul3A_219 = arith.constant 10 : i32
        %mul3A_220 = arith.muli %scan3A_47, %mul3A_219 : i32
        %add3A_221 = arith.constant 5 : i32
        %add3A_222 = arith.addi %mul3A_220, %add3A_221 : i32
        %mul3A_223 = arith.constant 16 : i32
        %mul3A_224 = arith.muli %add3A_222, %mul3A_223 : i32
        %add3A_225 = arith.addi %mul3A_32, %mul3A_224 : i32
        %get3A_226 = arith.index_cast %add3A_225 : i32 to index
        %get3A_227 = tpu.vector_load %arg15[%get3A_226] {strides = array<i32>} : memref<32000xi32, #tpu.memory_space<vmem>>, vector<16xi32>,
        %and3A_228 = arith.constant 16383 : i32
        %and3A_229 = vector.broadcast %and3A_228 : i32 to vector<16xi32>
        %and3A_230 = arith.andi %get3A_227, %and3A_229 : vector<16xi32>
        %shift_right_logical3A_231 = arith.constant 14 : i32
        %shift_right_logical3A_232 = vector.broadcast %shift_right_logical3A_231 : i32 to vector<16xi32>
        %shift_right_logical3A_233 = arith.shrui %get3A_227, %shift_right_logical3A_232 : vector<16xi32>
        %gather3A_234 = tpu.vector_load_idx %arg6[%and3A_230] : memref<10000xf32, #tpu.memory_space<vmem>>[vector<16xi32>], vector<16xf32>,
        %masked_sort3A_235 = arith.constant dense<true> : vector<16xi1>
        %masked_sort3A_236, %masked_sort3A_237, %masked_sort3A_238 = tpu.sort %gather3A_234, %shift_right_logical3A_233 masked %masked_sort3A_235 : (vector<16xf32>, vector<16xi32>, vector<16xi1>) -> (vector<16xi1>, vector<16xf32>, vector<16xi32>)
        %gather3A_239 = tpu.vector_load_idx %arg7[%and3A_230] : memref<10000xf32, #tpu.memory_space<vmem>>[vector<16xi32>], vector<16xf32>,
        %masked_sort3A_240 = arith.constant dense<true> : vector<16xi1>
        %masked_sort3A_241, %masked_sort3A_242, %masked_sort3A_243 = tpu.sort %gather3A_239, %shift_right_logical3A_233 masked %masked_sort3A_240 : (vector<16xf32>, vector<16xi32>, vector<16xi1>) -> (vector<16xi1>, vector<16xf32>, vector<16xi32>)
        %gather3A_244 = tpu.vector_load_idx %arg8[%and3A_230] : memref<10000xf32, #tpu.memory_space<vmem>>[vector<16xi32>], vector<16xf32>,
        %masked_sort3A_245 = arith.constant dense<true> : vector<16xi1>
        %masked_sort3A_246, %masked_sort3A_247, %masked_sort3A_248 = tpu.sort %gather3A_244, %shift_right_logical3A_233 masked %masked_sort3A_245 : (vector<16xf32>, vector<16xi32>, vector<16xi1>) -> (vector<16xi1>, vector<16xf32>, vector<16xi32>)
        %gather3A_249 = tpu.vector_load_idx %arg9[%and3A_230] : memref<10000xf32, #tpu.memory_space<vmem>>[vector<16xi32>], vector<16xf32>,
        %masked_sort3A_250 = arith.constant dense<true> : vector<16xi1>
        %masked_sort3A_251, %masked_sort3A_252, %masked_sort3A_253 = tpu.sort %gather3A_249, %shift_right_logical3A_233 masked %masked_sort3A_250 : (vector<16xf32>, vector<16xi32>, vector<16xi1>) -> (vector<16xi1>, vector<16xf32>, vector<16xi32>)
        %mul3A_254 = arith.constant 10 : i32
        %mul3A_255 = arith.muli %scan3A_47, %mul3A_254 : i32
        %add3A_256 = arith.constant 6 : i32
        %add3A_257 = arith.addi %mul3A_255, %add3A_256 : i32
        %mul3A_258 = arith.constant 16 : i32
        %mul3A_259 = arith.muli %add3A_257, %mul3A_258 : i32
        %add3A_260 = arith.addi %mul3A_32, %mul3A_259 : i32
        %get3A_261 = arith.index_cast %add3A_260 : i32 to index
        %get3A_262 = tpu.vector_load %arg15[%get3A_261] {strides = array<i32>} : memref<32000xi32, #tpu.memory_space<vmem>>, vector<16xi32>,
        %and3A_263 = arith.constant 16383 : i32
        %and3A_264 = vector.broadcast %and3A_263 : i32 to vector<16xi32>
        %and3A_265 = arith.andi %get3A_262, %and3A_264 : vector<16xi32>
        %shift_right_logical3A_266 = arith.constant 14 : i32
        %shift_right_logical3A_267 = vector.broadcast %shift_right_logical3A_266 : i32 to vector<16xi32>
        %shift_right_logical3A_268 = arith.shrui %get3A_262, %shift_right_logical3A_267 : vector<16xi32>
        %gather3A_269 = tpu.vector_load_idx %arg6[%and3A_265] : memref<10000xf32, #tpu.memory_space<vmem>>[vector<16xi32>], vector<16xf32>,
        %masked_sort3A_270 = arith.constant dense<true> : vector<16xi1>
        %masked_sort3A_271, %masked_sort3A_272, %masked_sort3A_273 = tpu.sort %gather3A_269, %shift_right_logical3A_268 masked %masked_sort3A_270 : (vector<16xf32>, vector<16xi32>, vector<16xi1>) -> (vector<16xi1>, vector<16xf32>, vector<16xi32>)
        %gather3A_274 = tpu.vector_load_idx %arg7[%and3A_265] : memref<10000xf32, #tpu.memory_space<vmem>>[vector<16xi32>], vector<16xf32>,
        %masked_sort3A_275 = arith.constant dense<true> : vector<16xi1>
        %masked_sort3A_276, %masked_sort3A_277, %masked_sort3A_278 = tpu.sort %gather3A_274, %shift_right_logical3A_268 masked %masked_sort3A_275 : (vector<16xf32>, vector<16xi32>, vector<16xi1>) -> (vector<16xi1>, vector<16xf32>, vector<16xi32>)
        %gather3A_279 = tpu.vector_load_idx %arg8[%and3A_265] : memref<10000xf32, #tpu.memory_space<vmem>>[vector<16xi32>], vector<16xf32>,
        %masked_sort3A_280 = arith.constant dense<true> : vector<16xi1>
        %masked_sort3A_281, %masked_sort3A_282, %masked_sort3A_283 = tpu.sort %gather3A_279, %shift_right_logical3A_268 masked %masked_sort3A_280 : (vector<16xf32>, vector<16xi32>, vector<16xi1>) -> (vector<16xi1>, vector<16xf32>, vector<16xi32>)
        %gather3A_284 = tpu.vector_load_idx %arg9[%and3A_265] : memref<10000xf32, #tpu.memory_space<vmem>>[vector<16xi32>], vector<16xf32>,
        %masked_sort3A_285 = arith.constant dense<true> : vector<16xi1>
        %masked_sort3A_286, %masked_sort3A_287, %masked_sort3A_288 = tpu.sort %gather3A_284, %shift_right_logical3A_268 masked %masked_sort3A_285 : (vector<16xf32>, vector<16xi32>, vector<16xi1>) -> (vector<16xi1>, vector<16xf32>, vector<16xi32>)
        %mul3A_289 = arith.constant 10 : i32
        %mul3A_290 = arith.muli %scan3A_47, %mul3A_289 : i32
        %add3A_291 = arith.constant 7 : i32
        %add3A_292 = arith.addi %mul3A_290, %add3A_291 : i32
        %mul3A_293 = arith.constant 16 : i32
        %mul3A_294 = arith.muli %add3A_292, %mul3A_293 : i32
        %add3A_295 = arith.addi %mul3A_32, %mul3A_294 : i32
        %get3A_296 = arith.index_cast %add3A_295 : i32 to index
        %get3A_297 = tpu.vector_load %arg15[%get3A_296] {strides = array<i32>} : memref<32000xi32, #tpu.memory_space<vmem>>, vector<16xi32>,
        %and3A_298 = arith.constant 16383 : i32
        %and3A_299 = vector.broadcast %and3A_298 : i32 to vector<16xi32>
        %and3A_300 = arith.andi %get3A_297, %and3A_299 : vector<16xi32>
        %shift_right_logical3A_301 = arith.constant 14 : i32
        %shift_right_logical3A_302 = vector.broadcast %shift_right_logical3A_301 : i32 to vector<16xi32>
        %shift_right_logical3A_303 = arith.shrui %get3A_297, %shift_right_logical3A_302 : vector<16xi32>
        %gather3A_304 = tpu.vector_load_idx %arg6[%and3A_300] : memref<10000xf32, #tpu.memory_space<vmem>>[vector<16xi32>], vector<16xf32>,
        %masked_sort3A_305 = arith.constant dense<true> : vector<16xi1>
        %masked_sort3A_306, %masked_sort3A_307, %masked_sort3A_308 = tpu.sort %gather3A_304, %shift_right_logical3A_303 masked %masked_sort3A_305 : (vector<16xf32>, vector<16xi32>, vector<16xi1>) -> (vector<16xi1>, vector<16xf32>, vector<16xi32>)
        %gather3A_309 = tpu.vector_load_idx %arg7[%and3A_300] : memref<10000xf32, #tpu.memory_space<vmem>>[vector<16xi32>], vector<16xf32>,
        %masked_sort3A_310 = arith.constant dense<true> : vector<16xi1>
        %masked_sort3A_311, %masked_sort3A_312, %masked_sort3A_313 = tpu.sort %gather3A_309, %shift_right_logical3A_303 masked %masked_sort3A_310 : (vector<16xf32>, vector<16xi32>, vector<16xi1>) -> (vector<16xi1>, vector<16xf32>, vector<16xi32>)
        %gather3A_314 = tpu.vector_load_idx %arg8[%and3A_300] : memref<10000xf32, #tpu.memory_space<vmem>>[vector<16xi32>], vector<16xf32>,
        %masked_sort3A_315 = arith.constant dense<true> : vector<16xi1>
        %masked_sort3A_316, %masked_sort3A_317, %masked_sort3A_318 = tpu.sort %gather3A_314, %shift_right_logical3A_303 masked %masked_sort3A_315 : (vector<16xf32>, vector<16xi32>, vector<16xi1>) -> (vector<16xi1>, vector<16xf32>, vector<16xi32>)
        %gather3A_319 = tpu.vector_load_idx %arg9[%and3A_300] : memref<10000xf32, #tpu.memory_space<vmem>>[vector<16xi32>], vector<16xf32>,
        %masked_sort3A_320 = arith.constant dense<true> : vector<16xi1>
        %masked_sort3A_321, %masked_sort3A_322, %masked_sort3A_323 = tpu.sort %gather3A_319, %shift_right_logical3A_303 masked %masked_sort3A_320 : (vector<16xf32>, vector<16xi32>, vector<16xi1>) -> (vector<16xi1>, vector<16xf32>, vector<16xi32>)
        %mul3A_324 = arith.constant 10 : i32
        %mul3A_325 = arith.muli %scan3A_47, %mul3A_324 : i32
        %add3A_326 = arith.constant 8 : i32
        %add3A_327 = arith.addi %mul3A_325, %add3A_326 : i32
        %mul3A_328 = arith.constant 16 : i32
        %mul3A_329 = arith.muli %add3A_327, %mul3A_328 : i32
        %add3A_330 = arith.addi %mul3A_32, %mul3A_329 : i32
        %get3A_331 = arith.index_cast %add3A_330 : i32 to index
        %get3A_332 = tpu.vector_load %arg15[%get3A_331] {strides = array<i32>} : memref<32000xi32, #tpu.memory_space<vmem>>, vector<16xi32>,
        %and3A_333 = arith.constant 16383 : i32
        %and3A_334 = vector.broadcast %and3A_333 : i32 to vector<16xi32>
        %and3A_335 = arith.andi %get3A_332, %and3A_334 : vector<16xi32>
        %shift_right_logical3A_336 = arith.constant 14 : i32
        %shift_right_logical3A_337 = vector.broadcast %shift_right_logical3A_336 : i32 to vector<16xi32>
        %shift_right_logical3A_338 = arith.shrui %get3A_332, %shift_right_logical3A_337 : vector<16xi32>
        %gather3A_339 = tpu.vector_load_idx %arg6[%and3A_335] : memref<10000xf32, #tpu.memory_space<vmem>>[vector<16xi32>], vector<16xf32>,
        %masked_sort3A_340 = arith.constant dense<true> : vector<16xi1>
        %masked_sort3A_341, %masked_sort3A_342, %masked_sort3A_343 = tpu.sort %gather3A_339, %shift_right_logical3A_338 masked %masked_sort3A_340 : (vector<16xf32>, vector<16xi32>, vector<16xi1>) -> (vector<16xi1>, vector<16xf32>, vector<16xi32>)
        %gather3A_344 = tpu.vector_load_idx %arg7[%and3A_335] : memref<10000xf32, #tpu.memory_space<vmem>>[vector<16xi32>], vector<16xf32>,
        %masked_sort3A_345 = arith.constant dense<true> : vector<16xi1>
        %masked_sort3A_346, %masked_sort3A_347, %masked_sort3A_348 = tpu.sort %gather3A_344, %shift_right_logical3A_338 masked %masked_sort3A_345 : (vector<16xf32>, vector<16xi32>, vector<16xi1>) -> (vector<16xi1>, vector<16xf32>, vector<16xi32>)
        %gather3A_349 = tpu.vector_load_idx %arg8[%and3A_335] : memref<10000xf32, #tpu.memory_space<vmem>>[vector<16xi32>], vector<16xf32>,
        %masked_sort3A_350 = arith.constant dense<true> : vector<16xi1>
        %masked_sort3A_351, %masked_sort3A_352, %masked_sort3A_353 = tpu.sort %gather3A_349, %shift_right_logical3A_338 masked %masked_sort3A_350 : (vector<16xf32>, vector<16xi32>, vector<16xi1>) -> (vector<16xi1>, vector<16xf32>, vector<16xi32>)
        %gather3A_354 = tpu.vector_load_idx %arg9[%and3A_335] : memref<10000xf32, #tpu.memory_space<vmem>>[vector<16xi32>], vector<16xf32>,
        %masked_sort3A_355 = arith.constant dense<true> : vector<16xi1>
        %masked_sort3A_356, %masked_sort3A_357, %masked_sort3A_358 = tpu.sort %gather3A_354, %shift_right_logical3A_338 masked %masked_sort3A_355 : (vector<16xf32>, vector<16xi32>, vector<16xi1>) -> (vector<16xi1>, vector<16xf32>, vector<16xi32>)
        %mul3A_359 = arith.constant 10 : i32
        %mul3A_360 = arith.muli %scan3A_47, %mul3A_359 : i32
        %add3A_361 = arith.constant 9 : i32
        %add3A_362 = arith.addi %mul3A_360, %add3A_361 : i32
        %mul3A_363 = arith.constant 16 : i32
        %mul3A_364 = arith.muli %add3A_362, %mul3A_363 : i32
        %add3A_365 = arith.addi %mul3A_32, %mul3A_364 : i32
        %get3A_366 = arith.index_cast %add3A_365 : i32 to index
        %get3A_367 = tpu.vector_load %arg15[%get3A_366] {strides = array<i32>} : memref<32000xi32, #tpu.memory_space<vmem>>, vector<16xi32>,
        %and3A_368 = arith.constant 16383 : i32
        %and3A_369 = vector.broadcast %and3A_368 : i32 to vector<16xi32>
        %and3A_370 = arith.andi %get3A_367, %and3A_369 : vector<16xi32>
        %shift_right_logical3A_371 = arith.constant 14 : i32
        %shift_right_logical3A_372 = vector.broadcast %shift_right_logical3A_371 : i32 to vector<16xi32>
        %shift_right_logical3A_373 = arith.shrui %get3A_367, %shift_right_logical3A_372 : vector<16xi32>
        %gather3A_374 = tpu.vector_load_idx %arg6[%and3A_370] : memref<10000xf32, #tpu.memory_space<vmem>>[vector<16xi32>], vector<16xf32>,
        %masked_sort3A_375 = arith.constant dense<true> : vector<16xi1>
        %masked_sort3A_376, %masked_sort3A_377, %masked_sort3A_378 = tpu.sort %gather3A_374, %shift_right_logical3A_373 masked %masked_sort3A_375 : (vector<16xf32>, vector<16xi32>, vector<16xi1>) -> (vector<16xi1>, vector<16xf32>, vector<16xi32>)
        %gather3A_379 = tpu.vector_load_idx %arg7[%and3A_370] : memref<10000xf32, #tpu.memory_space<vmem>>[vector<16xi32>], vector<16xf32>,
        %masked_sort3A_380 = arith.constant dense<true> : vector<16xi1>
        %masked_sort3A_381, %masked_sort3A_382, %masked_sort3A_383 = tpu.sort %gather3A_379, %shift_right_logical3A_373 masked %masked_sort3A_380 : (vector<16xf32>, vector<16xi32>, vector<16xi1>) -> (vector<16xi1>, vector<16xf32>, vector<16xi32>)
        %gather3A_384 = tpu.vector_load_idx %arg8[%and3A_370] : memref<10000xf32, #tpu.memory_space<vmem>>[vector<16xi32>], vector<16xf32>,
        %masked_sort3A_385 = arith.constant dense<true> : vector<16xi1>
        %masked_sort3A_386, %masked_sort3A_387, %masked_sort3A_388 = tpu.sort %gather3A_384, %shift_right_logical3A_373 masked %masked_sort3A_385 : (vector<16xf32>, vector<16xi32>, vector<16xi1>) -> (vector<16xi1>, vector<16xf32>, vector<16xi32>)
        %gather3A_389 = tpu.vector_load_idx %arg9[%and3A_370] : memref<10000xf32, #tpu.memory_space<vmem>>[vector<16xi32>], vector<16xf32>,
        %masked_sort3A_390 = arith.constant dense<true> : vector<16xi1>
        %masked_sort3A_391, %masked_sort3A_392, %masked_sort3A_393 = tpu.sort %gather3A_389, %shift_right_logical3A_373 masked %masked_sort3A_390 : (vector<16xf32>, vector<16xi32>, vector<16xi1>) -> (vector<16xi1>, vector<16xf32>, vector<16xi32>)
        %gather3A_394 = tpu.vector_load_idx %arg10[%masked_sort3A_63] : memref<10000xf32, #tpu.memory_space<vmem>>[vector<16xi32>], vector<16xf32>,
        %gather3A_395 = tpu.vector_load_idx %arg11[%masked_sort3A_68] : memref<10000xf32, #tpu.memory_space<vmem>>[vector<16xi32>], vector<16xf32>,
        %gather3A_396 = tpu.vector_load_idx %arg12[%masked_sort3A_73] : memref<10000xf32, #tpu.memory_space<vmem>>[vector<16xi32>], vector<16xf32>,
        %gather3A_397 = tpu.vector_load_idx %arg13[%masked_sort3A_78] : memref<10000xf32, #tpu.memory_space<vmem>>[vector<16xi32>], vector<16xf32>,
        %max3A = arith.maximumf %gather3A_394, %masked_sort3A_62 : vector<16xf32>
        tpu.vector_store_idx %arg10[%masked_sort3A_63], %max3A : memref<10000xf32, #tpu.memory_space<vmem>>[vector<16xi32>], vector<16xf32>,
        %max3A_398 = arith.maximumf %gather3A_395, %masked_sort3A_67 : vector<16xf32>
        tpu.vector_store_idx %arg11[%masked_sort3A_68], %max3A_398 : memref<10000xf32, #tpu.memory_space<vmem>>[vector<16xi32>], vector<16xf32>,
        %max3A_399 = arith.maximumf %gather3A_396, %masked_sort3A_72 : vector<16xf32>
        tpu.vector_store_idx %arg12[%masked_sort3A_73], %max3A_399 : memref<10000xf32, #tpu.memory_space<vmem>>[vector<16xi32>], vector<16xf32>,
        %max3A_400 = arith.maximumf %gather3A_397, %masked_sort3A_77 : vector<16xf32>
        tpu.vector_store_idx %arg13[%masked_sort3A_78], %max3A_400 : memref<10000xf32, #tpu.memory_space<vmem>>[vector<16xi32>], vector<16xf32>,
        %gather3A_401 = tpu.vector_load_idx %arg10[%masked_sort3A_98] : memref<10000xf32, #tpu.memory_space<vmem>>[vector<16xi32>], vector<16xf32>,
        %gather3A_402 = tpu.vector_load_idx %arg11[%masked_sort3A_103] : memref<10000xf32, #tpu.memory_space<vmem>>[vector<16xi32>], vector<16xf32>,
        %gather3A_403 = tpu.vector_load_idx %arg12[%masked_sort3A_108] : memref<10000xf32, #tpu.memory_space<vmem>>[vector<16xi32>], vector<16xf32>,
        %gather3A_404 = tpu.vector_load_idx %arg13[%masked_sort3A_113] : memref<10000xf32, #tpu.memory_space<vmem>>[vector<16xi32>], vector<16xf32>,
        %max3A_405 = arith.maximumf %gather3A_401, %masked_sort3A_97 : vector<16xf32>
        tpu.vector_store_idx %arg10[%masked_sort3A_98], %max3A_405 : memref<10000xf32, #tpu.memory_space<vmem>>[vector<16xi32>], vector<16xf32>,
        %max3A_406 = arith.maximumf %gather3A_402, %masked_sort3A_102 : vector<16xf32>
        tpu.vector_store_idx %arg11[%masked_sort3A_103], %max3A_406 : memref<10000xf32, #tpu.memory_space<vmem>>[vector<16xi32>], vector<16xf32>,
        %max3A_407 = arith.maximumf %gather3A_403, %masked_sort3A_107 : vector<16xf32>
        tpu.vector_store_idx %arg12[%masked_sort3A_108], %max3A_407 : memref<10000xf32, #tpu.memory_space<vmem>>[vector<16xi32>], vector<16xf32>,
        %max3A_408 = arith.maximumf %gather3A_404, %masked_sort3A_112 : vector<16xf32>
        tpu.vector_store_idx %arg13[%masked_sort3A_113], %max3A_408 : memref<10000xf32, #tpu.memory_space<vmem>>[vector<16xi32>], vector<16xf32>,
        %gather3A_409 = tpu.vector_load_idx %arg10[%masked_sort3A_133] : memref<10000xf32, #tpu.memory_space<vmem>>[vector<16xi32>], vector<16xf32>,
        %gather3A_410 = tpu.vector_load_idx %arg11[%masked_sort3A_138] : memref<10000xf32, #tpu.memory_space<vmem>>[vector<16xi32>], vector<16xf32>,
        %gather3A_411 = tpu.vector_load_idx %arg12[%masked_sort3A_143] : memref<10000xf32, #tpu.memory_space<vmem>>[vector<16xi32>], vector<16xf32>,
        %gather3A_412 = tpu.vector_load_idx %arg13[%masked_sort3A_148] : memref<10000xf32, #tpu.memory_space<vmem>>[vector<16xi32>], vector<16xf32>,
        %max3A_413 = arith.maximumf %gather3A_409, %masked_sort3A_132 : vector<16xf32>
        tpu.vector_store_idx %arg10[%masked_sort3A_133], %max3A_413 : memref<10000xf32, #tpu.memory_space<vmem>>[vector<16xi32>], vector<16xf32>,
        %max3A_414 = arith.maximumf %gather3A_410, %masked_sort3A_137 : vector<16xf32>
        tpu.vector_store_idx %arg11[%masked_sort3A_138], %max3A_414 : memref<10000xf32, #tpu.memory_space<vmem>>[vector<16xi32>], vector<16xf32>,
        %max3A_415 = arith.maximumf %gather3A_411, %masked_sort3A_142 : vector<16xf32>
        tpu.vector_store_idx %arg12[%masked_sort3A_143], %max3A_415 : memref<10000xf32, #tpu.memory_space<vmem>>[vector<16xi32>], vector<16xf32>,
        %max3A_416 = arith.maximumf %gather3A_412, %masked_sort3A_147 : vector<16xf32>
        tpu.vector_store_idx %arg13[%masked_sort3A_148], %max3A_416 : memref<10000xf32, #tpu.memory_space<vmem>>[vector<16xi32>], vector<16xf32>,
        %gather3A_417 = tpu.vector_load_idx %arg10[%masked_sort3A_168] : memref<10000xf32, #tpu.memory_space<vmem>>[vector<16xi32>], vector<16xf32>,
        %gather3A_418 = tpu.vector_load_idx %arg11[%masked_sort3A_173] : memref<10000xf32, #tpu.memory_space<vmem>>[vector<16xi32>], vector<16xf32>,
        %gather3A_419 = tpu.vector_load_idx %arg12[%masked_sort3A_178] : memref<10000xf32, #tpu.memory_space<vmem>>[vector<16xi32>], vector<16xf32>,
        %gather3A_420 = tpu.vector_load_idx %arg13[%masked_sort3A_183] : memref<10000xf32, #tpu.memory_space<vmem>>[vector<16xi32>], vector<16xf32>,
        %max3A_421 = arith.maximumf %gather3A_417, %masked_sort3A_167 : vector<16xf32>
        tpu.vector_store_idx %arg10[%masked_sort3A_168], %max3A_421 : memref<10000xf32, #tpu.memory_space<vmem>>[vector<16xi32>], vector<16xf32>,
        %max3A_422 = arith.maximumf %gather3A_418, %masked_sort3A_172 : vector<16xf32>
        tpu.vector_store_idx %arg11[%masked_sort3A_173], %max3A_422 : memref<10000xf32, #tpu.memory_space<vmem>>[vector<16xi32>], vector<16xf32>,
        %max3A_423 = arith.maximumf %gather3A_419, %masked_sort3A_177 : vector<16xf32>
        tpu.vector_store_idx %arg12[%masked_sort3A_178], %max3A_423 : memref<10000xf32, #tpu.memory_space<vmem>>[vector<16xi32>], vector<16xf32>,
        %max3A_424 = arith.maximumf %gather3A_420, %masked_sort3A_182 : vector<16xf32>
        tpu.vector_store_idx %arg13[%masked_sort3A_183], %max3A_424 : memref<10000xf32, #tpu.memory_space<vmem>>[vector<16xi32>], vector<16xf32>,
        %gather3A_425 = tpu.vector_load_idx %arg10[%masked_sort3A_203] : memref<10000xf32, #tpu.memory_space<vmem>>[vector<16xi32>], vector<16xf32>,
        %gather3A_426 = tpu.vector_load_idx %arg11[%masked_sort3A_208] : memref<10000xf32, #tpu.memory_space<vmem>>[vector<16xi32>], vector<16xf32>,
        %gather3A_427 = tpu.vector_load_idx %arg12[%masked_sort3A_213] : memref<10000xf32, #tpu.memory_space<vmem>>[vector<16xi32>], vector<16xf32>,
        %gather3A_428 = tpu.vector_load_idx %arg13[%masked_sort3A_218] : memref<10000xf32, #tpu.memory_space<vmem>>[vector<16xi32>], vector<16xf32>,
        %max3A_429 = arith.maximumf %gather3A_425, %masked_sort3A_202 : vector<16xf32>
        tpu.vector_store_idx %arg10[%masked_sort3A_203], %max3A_429 : memref<10000xf32, #tpu.memory_space<vmem>>[vector<16xi32>], vector<16xf32>,
        %max3A_430 = arith.maximumf %gather3A_426, %masked_sort3A_207 : vector<16xf32>
        tpu.vector_store_idx %arg11[%masked_sort3A_208], %max3A_430 : memref<10000xf32, #tpu.memory_space<vmem>>[vector<16xi32>], vector<16xf32>,
        %max3A_431 = arith.maximumf %gather3A_427, %masked_sort3A_212 : vector<16xf32>
        tpu.vector_store_idx %arg12[%masked_sort3A_213], %max3A_431 : memref<10000xf32, #tpu.memory_space<vmem>>[vector<16xi32>], vector<16xf32>,
        %max3A_432 = arith.maximumf %gather3A_428, %masked_sort3A_217 : vector<16xf32>
        tpu.vector_store_idx %arg13[%masked_sort3A_218], %max3A_432 : memref<10000xf32, #tpu.memory_space<vmem>>[vector<16xi32>], vector<16xf32>,
        %gather3A_433 = tpu.vector_load_idx %arg10[%masked_sort3A_238] : memref<10000xf32, #tpu.memory_space<vmem>>[vector<16xi32>], vector<16xf32>,
        %gather3A_434 = tpu.vector_load_idx %arg11[%masked_sort3A_243] : memref<10000xf32, #tpu.memory_space<vmem>>[vector<16xi32>], vector<16xf32>,
        %gather3A_435 = tpu.vector_load_idx %arg12[%masked_sort3A_248] : memref<10000xf32, #tpu.memory_space<vmem>>[vector<16xi32>], vector<16xf32>,
        %gather3A_436 = tpu.vector_load_idx %arg13[%masked_sort3A_253] : memref<10000xf32, #tpu.memory_space<vmem>>[vector<16xi32>], vector<16xf32>,
        %max3A_437 = arith.maximumf %gather3A_433, %masked_sort3A_237 : vector<16xf32>
        tpu.vector_store_idx %arg10[%masked_sort3A_238], %max3A_437 : memref<10000xf32, #tpu.memory_space<vmem>>[vector<16xi32>], vector<16xf32>,
        %max3A_438 = arith.maximumf %gather3A_434, %masked_sort3A_242 : vector<16xf32>
        tpu.vector_store_idx %arg11[%masked_sort3A_243], %max3A_438 : memref<10000xf32, #tpu.memory_space<vmem>>[vector<16xi32>], vector<16xf32>,
        %max3A_439 = arith.maximumf %gather3A_435, %masked_sort3A_247 : vector<16xf32>
        tpu.vector_store_idx %arg12[%masked_sort3A_248], %max3A_439 : memref<10000xf32, #tpu.memory_space<vmem>>[vector<16xi32>], vector<16xf32>,
        %max3A_440 = arith.maximumf %gather3A_436, %masked_sort3A_252 : vector<16xf32>
        tpu.vector_store_idx %arg13[%masked_sort3A_253], %max3A_440 : memref<10000xf32, #tpu.memory_space<vmem>>[vector<16xi32>], vector<16xf32>,
        %gather3A_441 = tpu.vector_load_idx %arg10[%masked_sort3A_273] : memref<10000xf32, #tpu.memory_space<vmem>>[vector<16xi32>], vector<16xf32>,
        %gather3A_442 = tpu.vector_load_idx %arg11[%masked_sort3A_278] : memref<10000xf32, #tpu.memory_space<vmem>>[vector<16xi32>], vector<16xf32>,
        %gather3A_443 = tpu.vector_load_idx %arg12[%masked_sort3A_283] : memref<10000xf32, #tpu.memory_space<vmem>>[vector<16xi32>], vector<16xf32>,
        %gather3A_444 = tpu.vector_load_idx %arg13[%masked_sort3A_288] : memref<10000xf32, #tpu.memory_space<vmem>>[vector<16xi32>], vector<16xf32>,
        %max3A_445 = arith.maximumf %gather3A_441, %masked_sort3A_272 : vector<16xf32>
        tpu.vector_store_idx %arg10[%masked_sort3A_273], %max3A_445 : memref<10000xf32, #tpu.memory_space<vmem>>[vector<16xi32>], vector<16xf32>,
        %max3A_446 = arith.maximumf %gather3A_442, %masked_sort3A_277 : vector<16xf32>
        tpu.vector_store_idx %arg11[%masked_sort3A_278], %max3A_446 : memref<10000xf32, #tpu.memory_space<vmem>>[vector<16xi32>], vector<16xf32>,
        %max3A_447 = arith.maximumf %gather3A_443, %masked_sort3A_282 : vector<16xf32>
        tpu.vector_store_idx %arg12[%masked_sort3A_283], %max3A_447 : memref<10000xf32, #tpu.memory_space<vmem>>[vector<16xi32>], vector<16xf32>,
        %max3A_448 = arith.maximumf %gather3A_444, %masked_sort3A_287 : vector<16xf32>
        tpu.vector_store_idx %arg13[%masked_sort3A_288], %max3A_448 : memref<10000xf32, #tpu.memory_space<vmem>>[vector<16xi32>], vector<16xf32>,
        %gather3A_449 = tpu.vector_load_idx %arg10[%masked_sort3A_308] : memref<10000xf32, #tpu.memory_space<vmem>>[vector<16xi32>], vector<16xf32>,
        %gather3A_450 = tpu.vector_load_idx %arg11[%masked_sort3A_313] : memref<10000xf32, #tpu.memory_space<vmem>>[vector<16xi32>], vector<16xf32>,
        %gather3A_451 = tpu.vector_load_idx %arg12[%masked_sort3A_318] : memref<10000xf32, #tpu.memory_space<vmem>>[vector<16xi32>], vector<16xf32>,
        %gather3A_452 = tpu.vector_load_idx %arg13[%masked_sort3A_323] : memref<10000xf32, #tpu.memory_space<vmem>>[vector<16xi32>], vector<16xf32>,
        %max3A_453 = arith.maximumf %gather3A_449, %masked_sort3A_307 : vector<16xf32>
        tpu.vector_store_idx %arg10[%masked_sort3A_308], %max3A_453 : memref<10000xf32, #tpu.memory_space<vmem>>[vector<16xi32>], vector<16xf32>,
        %max3A_454 = arith.maximumf %gather3A_450, %masked_sort3A_312 : vector<16xf32>
        tpu.vector_store_idx %arg11[%masked_sort3A_313], %max3A_454 : memref<10000xf32, #tpu.memory_space<vmem>>[vector<16xi32>], vector<16xf32>,
        %max3A_455 = arith.maximumf %gather3A_451, %masked_sort3A_317 : vector<16xf32>
        tpu.vector_store_idx %arg12[%masked_sort3A_318], %max3A_455 : memref<10000xf32, #tpu.memory_space<vmem>>[vector<16xi32>], vector<16xf32>,
        %max3A_456 = arith.maximumf %gather3A_452, %masked_sort3A_322 : vector<16xf32>
        tpu.vector_store_idx %arg13[%masked_sort3A_323], %max3A_456 : memref<10000xf32, #tpu.memory_space<vmem>>[vector<16xi32>], vector<16xf32>,
        %gather3A_457 = tpu.vector_load_idx %arg10[%masked_sort3A_343] : memref<10000xf32, #tpu.memory_space<vmem>>[vector<16xi32>], vector<16xf32>,
        %gather3A_458 = tpu.vector_load_idx %arg11[%masked_sort3A_348] : memref<10000xf32, #tpu.memory_space<vmem>>[vector<16xi32>], vector<16xf32>,
        %gather3A_459 = tpu.vector_load_idx %arg12[%masked_sort3A_353] : memref<10000xf32, #tpu.memory_space<vmem>>[vector<16xi32>], vector<16xf32>,
        %gather3A_460 = tpu.vector_load_idx %arg13[%masked_sort3A_358] : memref<10000xf32, #tpu.memory_space<vmem>>[vector<16xi32>], vector<16xf32>,
        %max3A_461 = arith.maximumf %gather3A_457, %masked_sort3A_342 : vector<16xf32>
        tpu.vector_store_idx %arg10[%masked_sort3A_343], %max3A_461 : memref<10000xf32, #tpu.memory_space<vmem>>[vector<16xi32>], vector<16xf32>,
        %max3A_462 = arith.maximumf %gather3A_458, %masked_sort3A_347 : vector<16xf32>
        tpu.vector_store_idx %arg11[%masked_sort3A_348], %max3A_462 : memref<10000xf32, #tpu.memory_space<vmem>>[vector<16xi32>], vector<16xf32>,
        %max3A_463 = arith.maximumf %gather3A_459, %masked_sort3A_352 : vector<16xf32>
        tpu.vector_store_idx %arg12[%masked_sort3A_353], %max3A_463 : memref<10000xf32, #tpu.memory_space<vmem>>[vector<16xi32>], vector<16xf32>,
        %max3A_464 = arith.maximumf %gather3A_460, %masked_sort3A_357 : vector<16xf32>
        tpu.vector_store_idx %arg13[%masked_sort3A_358], %max3A_464 : memref<10000xf32, #tpu.memory_space<vmem>>[vector<16xi32>], vector<16xf32>,
        %gather3A_465 = tpu.vector_load_idx %arg10[%masked_sort3A_378] : memref<10000xf32, #tpu.memory_space<vmem>>[vector<16xi32>], vector<16xf32>,
        %gather3A_466 = tpu.vector_load_idx %arg11[%masked_sort3A_383] : memref<10000xf32, #tpu.memory_space<vmem>>[vector<16xi32>], vector<16xf32>,
        %gather3A_467 = tpu.vector_load_idx %arg12[%masked_sort3A_388] : memref<10000xf32, #tpu.memory_space<vmem>>[vector<16xi32>], vector<16xf32>,
        %gather3A_468 = tpu.vector_load_idx %arg13[%masked_sort3A_393] : memref<10000xf32, #tpu.memory_space<vmem>>[vector<16xi32>], vector<16xf32>,
        %max3A_469 = arith.maximumf %gather3A_465, %masked_sort3A_377 : vector<16xf32>
        tpu.vector_store_idx %arg10[%masked_sort3A_378], %max3A_469 : memref<10000xf32, #tpu.memory_space<vmem>>[vector<16xi32>], vector<16xf32>,
        %max3A_470 = arith.maximumf %gather3A_466, %masked_sort3A_382 : vector<16xf32>
        tpu.vector_store_idx %arg11[%masked_sort3A_383], %max3A_470 : memref<10000xf32, #tpu.memory_space<vmem>>[vector<16xi32>], vector<16xf32>,
        %max3A_471 = arith.maximumf %gather3A_467, %masked_sort3A_387 : vector<16xf32>
        tpu.vector_store_idx %arg12[%masked_sort3A_388], %max3A_471 : memref<10000xf32, #tpu.memory_space<vmem>>[vector<16xi32>], vector<16xf32>,
        %max3A_472 = arith.maximumf %gather3A_468, %masked_sort3A_392 : vector<16xf32>
        tpu.vector_store_idx %arg13[%masked_sort3A_393], %max3A_472 : memref<10000xf32, #tpu.memory_space<vmem>>[vector<16xi32>], vector<16xf32>,
      }
      %scan3A_46 = arith.constant 100 : i32
    }
    %scan3A_19 = arith.constant 20 : i32
    %scan3A_20 = arith.constant 0 : i32
    %scan3A_21 = arith.constant 625 : i32
    %scan3A_22 = arith.addi %scan3A_20, %scan3A_21 : i32
    %scan3A_23 = arith.constant 1 : i32
    scf.for %scan3A_29 = %scan3A_20 to %scan3A_22 step %scan3A_23  : i32 {
      %mul3A_30 = arith.constant 16 : i32
      %mul3A_31 = arith.muli %scan3A_29, %mul3A_30 : i32
      %get3A = arith.index_cast %mul3A_31 : i32 to index
      %get3A_32 = tpu.vector_load %arg14[%get3A] {strides = array<i32>} : memref<10000xf32, #tpu.memory_space<vmem>>, vector<16xf32>,
      %get3A_33 = arith.index_cast %mul3A_31 : i32 to index
      %get3A_34 = tpu.vector_load %arg10[%get3A_33] {strides = array<i32>} : memref<10000xf32, #tpu.memory_space<vmem>>, vector<16xf32>,
      %eq3A = arith.constant 0xFF800000 : f32
      %eq3A_35 = vector.broadcast %eq3A : f32 to vector<16xf32>
      %eq3A_36 = arith.cmpf oeq, %get3A_34, %eq3A_35 : vector<16xf32>
      %mul3A_37 = arith.mulf %get3A_34, %get3A_32 : vector<16xf32>
      %jit3A = arith.constant 0.000000e+00 : f32
      %broadcast_in_dim3A = vector.broadcast %jit3A : f32 to vector<16xf32>
      %select_n3A = arith.select %eq3A_36, %broadcast_in_dim3A, %mul3A_37 : vector<16xi1>, vector<16xf32>
      %swap3A = arith.index_cast %mul3A_31 : i32 to index
      %swap3A_38 = tpu.vector_load %arg10[%swap3A] {strides = array<i32>} : memref<10000xf32, #tpu.memory_space<vmem>>, vector<16xf32>,
      tpu.vector_store %arg10[%swap3A], %select_n3A {strides = array<i32>} : memref<10000xf32, #tpu.memory_space<vmem>>, vector<16xf32>,
      %get3A_39 = arith.index_cast %mul3A_31 : i32 to index
      %get3A_40 = tpu.vector_load %arg11[%get3A_39] {strides = array<i32>} : memref<10000xf32, #tpu.memory_space<vmem>>, vector<16xf32>,
      %eq3A_41 = arith.constant 0xFF800000 : f32
      %eq3A_42 = vector.broadcast %eq3A_41 : f32 to vector<16xf32>
      %eq3A_43 = arith.cmpf oeq, %get3A_40, %eq3A_42 : vector<16xf32>
      %mul3A_44 = arith.mulf %get3A_40, %get3A_32 : vector<16xf32>
      %jit3A_45 = arith.constant 0.000000e+00 : f32
      %broadcast_in_dim3A_46 = vector.broadcast %jit3A_45 : f32 to vector<16xf32>
      %select_n3A_47 = arith.select %eq3A_43, %broadcast_in_dim3A_46, %mul3A_44 : vector<16xi1>, vector<16xf32>
      %swap3A_48 = arith.index_cast %mul3A_31 : i32 to index
      %swap3A_49 = tpu.vector_load %arg11[%swap3A_48] {strides = array<i32>} : memref<10000xf32, #tpu.memory_space<vmem>>, vector<16xf32>,
      tpu.vector_store %arg11[%swap3A_48], %select_n3A_47 {strides = array<i32>} : memref<10000xf32, #tpu.memory_space<vmem>>, vector<16xf32>,
      %get3A_50 = arith.index_cast %mul3A_31 : i32 to index
      %get3A_51 = tpu.vector_load %arg12[%get3A_50] {strides = array<i32>} : memref<10000xf32, #tpu.memory_space<vmem>>, vector<16xf32>,
      %eq3A_52 = arith.constant 0xFF800000 : f32
      %eq3A_53 = vector.broadcast %eq3A_52 : f32 to vector<16xf32>
      %eq3A_54 = arith.cmpf oeq, %get3A_51, %eq3A_53 : vector<16xf32>
      %mul3A_55 = arith.mulf %get3A_51, %get3A_32 : vector<16xf32>
      %jit3A_56 = arith.constant 0.000000e+00 : f32
      %broadcast_in_dim3A_57 = vector.broadcast %jit3A_56 : f32 to vector<16xf32>
      %select_n3A_58 = arith.select %eq3A_54, %broadcast_in_dim3A_57, %mul3A_55 : vector<16xi1>, vector<16xf32>
      %swap3A_59 = arith.index_cast %mul3A_31 : i32 to index
      %swap3A_60 = tpu.vector_load %arg12[%swap3A_59] {strides = array<i32>} : memref<10000xf32, #tpu.memory_space<vmem>>, vector<16xf32>,
      tpu.vector_store %arg12[%swap3A_59], %select_n3A_58 {strides = array<i32>} : memref<10000xf32, #tpu.memory_space<vmem>>, vector<16xf32>,
      %get3A_61 = arith.index_cast %mul3A_31 : i32 to index
      %get3A_62 = tpu.vector_load %arg13[%get3A_61] {strides = array<i32>} : memref<10000xf32, #tpu.memory_space<vmem>>, vector<16xf32>,
      %eq3A_63 = arith.constant 0xFF800000 : f32
      %eq3A_64 = vector.broadcast %eq3A_63 : f32 to vector<16xf32>
      %eq3A_65 = arith.cmpf oeq, %get3A_62, %eq3A_64 : vector<16xf32>
      %mul3A_66 = arith.mulf %get3A_62, %get3A_32 : vector<16xf32>
      %jit3A_67 = arith.constant 0.000000e+00 : f32
      %broadcast_in_dim3A_68 = vector.broadcast %jit3A_67 : f32 to vector<16xf32>
      %select_n3A_69 = arith.select %eq3A_65, %broadcast_in_dim3A_68, %mul3A_66 : vector<16xi1>, vector<16xf32>
      %swap3A_70 = arith.index_cast %mul3A_31 : i32 to index
      %swap3A_71 = tpu.vector_load %arg13[%swap3A_70] {strides = array<i32>} : memref<10000xf32, #tpu.memory_space<vmem>>, vector<16xf32>,
      tpu.vector_store %arg13[%swap3A_70], %select_n3A_69 {strides = array<i32>} : memref<10000xf32, #tpu.memory_space<vmem>>, vector<16xf32>,
    }
    %scan3A_24 = arith.constant 625 : i32
    %run_scoped3A_25 = arith.constant 0 : i32
    "tpu.region"() ({
      %run_scoped3A_29 = tpu.sem_alloc : memref<!tpu.dma_semaphore, #tpu.memory_space<semaphore_mem>>
      %dma_start3A_30 = arith.constant 0 : i32
      %dma_start3A_31 = tpu.memref_slice %arg5[%add3A, %run_scoped3A_25, %dma_start3A_30] : memref<32x4x10000xf32, #tpu.memory_space<hbm>> -> memref<1x1x10000xf32, #tpu.memory_space<hbm>>
      %dma_start3A_32 = tpu.memref_squeeze %dma_start3A_31 : memref<1x1x10000xf32, #tpu.memory_space<hbm>> -> memref<10000xf32, #tpu.memory_space<hbm>>
      %dma_start3A_33 = arith.constant 0 : i32
      %dma_start3A_34 = tpu.memref_slice %arg5[%add3A, %run_scoped3A_25, %dma_start3A_33] : memref<32x4x10000xf32, #tpu.memory_space<hbm>> -> memref<1x1x10000xf32, #tpu.memory_space<hbm>>
      %dma_start3A_35 = tpu.memref_squeeze %dma_start3A_34 : memref<1x1x10000xf32, #tpu.memory_space<hbm>> -> memref<10000xf32, #tpu.memory_space<hbm>>
      tpu.enqueue_dma source(%arg10 : memref<10000xf32, #tpu.memory_space<vmem>>) target(%dma_start3A_35 : memref<10000xf32, #tpu.memory_space<hbm>>) target_semaphore(%run_scoped3A_29 : memref<!tpu.dma_semaphore, #tpu.memory_space<semaphore_mem>>)
      %dma_wait3A = arith.constant 0 : i32
      %dma_wait3A_36 = tpu.memref_slice %arg5[%add3A, %run_scoped3A_25, %dma_wait3A] : memref<32x4x10000xf32, #tpu.memory_space<hbm>> -> memref<1x1x10000xf32, #tpu.memory_space<hbm>>
      %dma_wait3A_37 = tpu.memref_squeeze %dma_wait3A_36 : memref<1x1x10000xf32, #tpu.memory_space<hbm>> -> memref<10000xf32, #tpu.memory_space<hbm>>
      %dma_wait3A_38 = arith.constant 0 : i32
      %dma_wait3A_39 = tpu.memref_slice %arg5[%add3A, %run_scoped3A_25, %dma_wait3A_38] : memref<32x4x10000xf32, #tpu.memory_space<hbm>> -> memref<1x1x10000xf32, #tpu.memory_space<hbm>>
      %dma_wait3A_40 = tpu.memref_squeeze %dma_wait3A_39 : memref<1x1x10000xf32, #tpu.memory_space<hbm>> -> memref<10000xf32, #tpu.memory_space<hbm>>
      tpu.wait_dma2 semaphore(%run_scoped3A_29 : memref<!tpu.dma_semaphore, #tpu.memory_space<semaphore_mem>>) src(%arg10 : memref<10000xf32, #tpu.memory_space<vmem>>) dst(%dma_wait3A_40 : memref<10000xf32, #tpu.memory_space<hbm>>)
      tpu.yield
    }) : () -> ()
    %run_scoped3A_26 = arith.constant 1 : i32
    "tpu.region"() ({
      %run_scoped3A_29 = tpu.sem_alloc : memref<!tpu.dma_semaphore, #tpu.memory_space<semaphore_mem>>
      %dma_start3A_30 = arith.constant 0 : i32
      %dma_start3A_31 = tpu.memref_slice %arg5[%add3A, %run_scoped3A_26, %dma_start3A_30] : memref<32x4x10000xf32, #tpu.memory_space<hbm>> -> memref<1x1x10000xf32, #tpu.memory_space<hbm>>
      %dma_start3A_32 = tpu.memref_squeeze %dma_start3A_31 : memref<1x1x10000xf32, #tpu.memory_space<hbm>> -> memref<10000xf32, #tpu.memory_space<hbm>>
      %dma_start3A_33 = arith.constant 0 : i32
      %dma_start3A_34 = tpu.memref_slice %arg5[%add3A, %run_scoped3A_26, %dma_start3A_33] : memref<32x4x10000xf32, #tpu.memory_space<hbm>> -> memref<1x1x10000xf32, #tpu.memory_space<hbm>>
      %dma_start3A_35 = tpu.memref_squeeze %dma_start3A_34 : memref<1x1x10000xf32, #tpu.memory_space<hbm>> -> memref<10000xf32, #tpu.memory_space<hbm>>
      tpu.enqueue_dma source(%arg11 : memref<10000xf32, #tpu.memory_space<vmem>>) target(%dma_start3A_35 : memref<10000xf32, #tpu.memory_space<hbm>>) target_semaphore(%run_scoped3A_29 : memref<!tpu.dma_semaphore, #tpu.memory_space<semaphore_mem>>)
      %dma_wait3A = arith.constant 0 : i32
      %dma_wait3A_36 = tpu.memref_slice %arg5[%add3A, %run_scoped3A_26, %dma_wait3A] : memref<32x4x10000xf32, #tpu.memory_space<hbm>> -> memref<1x1x10000xf32, #tpu.memory_space<hbm>>
      %dma_wait3A_37 = tpu.memref_squeeze %dma_wait3A_36 : memref<1x1x10000xf32, #tpu.memory_space<hbm>> -> memref<10000xf32, #tpu.memory_space<hbm>>
      %dma_wait3A_38 = arith.constant 0 : i32
      %dma_wait3A_39 = tpu.memref_slice %arg5[%add3A, %run_scoped3A_26, %dma_wait3A_38] : memref<32x4x10000xf32, #tpu.memory_space<hbm>> -> memref<1x1x10000xf32, #tpu.memory_space<hbm>>
      %dma_wait3A_40 = tpu.memref_squeeze %dma_wait3A_39 : memref<1x1x10000xf32, #tpu.memory_space<hbm>> -> memref<10000xf32, #tpu.memory_space<hbm>>
      tpu.wait_dma2 semaphore(%run_scoped3A_29 : memref<!tpu.dma_semaphore, #tpu.memory_space<semaphore_mem>>) src(%arg11 : memref<10000xf32, #tpu.memory_space<vmem>>) dst(%dma_wait3A_40 : memref<10000xf32, #tpu.memory_space<hbm>>)
      tpu.yield
    }) : () -> ()
    %run_scoped3A_27 = arith.constant 2 : i32
    "tpu.region"() ({
      %run_scoped3A_29 = tpu.sem_alloc : memref<!tpu.dma_semaphore, #tpu.memory_space<semaphore_mem>>
      %dma_start3A_30 = arith.constant 0 : i32
      %dma_start3A_31 = tpu.memref_slice %arg5[%add3A, %run_scoped3A_27, %dma_start3A_30] : memref<32x4x10000xf32, #tpu.memory_space<hbm>> -> memref<1x1x10000xf32, #tpu.memory_space<hbm>>
      %dma_start3A_32 = tpu.memref_squeeze %dma_start3A_31 : memref<1x1x10000xf32, #tpu.memory_space<hbm>> -> memref<10000xf32, #tpu.memory_space<hbm>>
      %dma_start3A_33 = arith.constant 0 : i32
      %dma_start3A_34 = tpu.memref_slice %arg5[%add3A, %run_scoped3A_27, %dma_start3A_33] : memref<32x4x10000xf32, #tpu.memory_space<hbm>> -> memref<1x1x10000xf32, #tpu.memory_space<hbm>>
      %dma_start3A_35 = tpu.memref_squeeze %dma_start3A_34 : memref<1x1x10000xf32, #tpu.memory_space<hbm>> -> memref<10000xf32, #tpu.memory_space<hbm>>
      tpu.enqueue_dma source(%arg12 : memref<10000xf32, #tpu.memory_space<vmem>>) target(%dma_start3A_35 : memref<10000xf32, #tpu.memory_space<hbm>>) target_semaphore(%run_scoped3A_29 : memref<!tpu.dma_semaphore, #tpu.memory_space<semaphore_mem>>)
      %dma_wait3A = arith.constant 0 : i32
      %dma_wait3A_36 = tpu.memref_slice %arg5[%add3A, %run_scoped3A_27, %dma_wait3A] : memref<32x4x10000xf32, #tpu.memory_space<hbm>> -> memref<1x1x10000xf32, #tpu.memory_space<hbm>>
      %dma_wait3A_37 = tpu.memref_squeeze %dma_wait3A_36 : memref<1x1x10000xf32, #tpu.memory_space<hbm>> -> memref<10000xf32, #tpu.memory_space<hbm>>
      %dma_wait3A_38 = arith.constant 0 : i32
      %dma_wait3A_39 = tpu.memref_slice %arg5[%add3A, %run_scoped3A_27, %dma_wait3A_38] : memref<32x4x10000xf32, #tpu.memory_space<hbm>> -> memref<1x1x10000xf32, #tpu.memory_space<hbm>>
      %dma_wait3A_40 = tpu.memref_squeeze %dma_wait3A_39 : memref<1x1x10000xf32, #tpu.memory_space<hbm>> -> memref<10000xf32, #tpu.memory_space<hbm>>
      tpu.wait_dma2 semaphore(%run_scoped3A_29 : memref<!tpu.dma_semaphore, #tpu.memory_space<semaphore_mem>>) src(%arg12 : memref<10000xf32, #tpu.memory_space<vmem>>) dst(%dma_wait3A_40 : memref<10000xf32, #tpu.memory_space<hbm>>)
      tpu.yield
    }) : () -> ()
    %run_scoped3A_28 = arith.constant 3 : i32
    "tpu.region"() ({
      %run_scoped3A_29 = tpu.sem_alloc : memref<!tpu.dma_semaphore, #tpu.memory_space<semaphore_mem>>
      %dma_start3A_30 = arith.constant 0 : i32
      %dma_start3A_31 = tpu.memref_slice %arg5[%add3A, %run_scoped3A_28, %dma_start3A_30] : memref<32x4x10000xf32, #tpu.memory_space<hbm>> -> memref<1x1x10000xf32, #tpu.memory_space<hbm>>
      %dma_start3A_32 = tpu.memref_squeeze %dma_start3A_31 : memref<1x1x10000xf32, #tpu.memory_space<hbm>> -> memref<10000xf32, #tpu.memory_space<hbm>>
      %dma_start3A_33 = arith.constant 0 : i32
      %dma_start3A_34 = tpu.memref_slice %arg5[%add3A, %run_scoped3A_28, %dma_start3A_33] : memref<32x4x10000xf32, #tpu.memory_space<hbm>> -> memref<1x1x10000xf32, #tpu.memory_space<hbm>>
      %dma_start3A_35 = tpu.memref_squeeze %dma_start3A_34 : memref<1x1x10000xf32, #tpu.memory_space<hbm>> -> memref<10000xf32, #tpu.memory_space<hbm>>
      tpu.enqueue_dma source(%arg13 : memref<10000xf32, #tpu.memory_space<vmem>>) target(%dma_start3A_35 : memref<10000xf32, #tpu.memory_space<hbm>>) target_semaphore(%run_scoped3A_29 : memref<!tpu.dma_semaphore, #tpu.memory_space<semaphore_mem>>)
      %dma_wait3A = arith.constant 0 : i32
      %dma_wait3A_36 = tpu.memref_slice %arg5[%add3A, %run_scoped3A_28, %dma_wait3A] : memref<32x4x10000xf32, #tpu.memory_space<hbm>> -> memref<1x1x10000xf32, #tpu.memory_space<hbm>>
      %dma_wait3A_37 = tpu.memref_squeeze %dma_wait3A_36 : memref<1x1x10000xf32, #tpu.memory_space<hbm>> -> memref<10000xf32, #tpu.memory_space<hbm>>
      %dma_wait3A_38 = arith.constant 0 : i32
      %dma_wait3A_39 = tpu.memref_slice %arg5[%add3A, %run_scoped3A_28, %dma_wait3A_38] : memref<32x4x10000xf32, #tpu.memory_space<hbm>> -> memref<1x1x10000xf32, #tpu.memory_space<hbm>>
      %dma_wait3A_40 = tpu.memref_squeeze %dma_wait3A_39 : memref<1x1x10000xf32, #tpu.memory_space<hbm>> -> memref<10000xf32, #tpu.memory_space<hbm>>
      tpu.wait_dma2 semaphore(%run_scoped3A_29 : memref<!tpu.dma_semaphore, #tpu.memory_space<semaphore_mem>>) src(%arg13 : memref<10000xf32, #tpu.memory_space<vmem>>) dst(%dma_wait3A_40 : memref<10000xf32, #tpu.memory_space<hbm>>)
      tpu.yield
    }) : () -> ()
    return
  }
}

</mosaic_0001>

<sc_bundles>
// kernel: kernel.3.cloned.1.call-start
scs
__scs_entry_jumppad:
0x0: {  	(pc) =	sbr.rel $0x88, $3  }
0x1: {  	(tag) =	ssettag $0x0;
	lr =	simm.s32 $0x1  }
0x2: {  	[smem:$0x3F9E] =	sst lr;
	_ =	strace $0xD0000000  }
0x3: {  	_ = 	snop  }
0x4: {  	_ = 	snop  }
0x5: {  	_ = 	snop  }
0x6: {  	_ = 	snop  }
0x7: {  	_ = 	snop  }
__scs_overlays_trampoline_lowered:
0x8: {  	[smem:$0x3FAD] =	sst s0  }
0x9: {  	[smem:$0x3FAE] =	sst s1  }
0xa: {  	[smem:$0x3FAF] =	sst s2  }
0xb: {  	[smem:$0x3FB0] =	sst s3  }
0xc: {  	[smem:$0x3FB1] =	sst s4  }
0xd: {  	[smem:$0x3FB2] =	sst s5  }
0xe: {  	[smem:$0x3FB3] =	sst s6  }
0xf: {  	[smem:$0x3FB4] =	sst s7  }
0x10: {  	[smem:$0x3FB5] =	sst s8  }
0x11: {  	[smem:$0x3FB6] =	sst s9;
	s0 =	simm.s32 @!p0 $0x0  }
0x12: {  	s1 =	sld [smem:$0x3F9C];
	s0 =	simm.s32 @p0 $0x1  }
0x13: {  	[smem:$0x3FB7] =	sst s0;
	s0 =	simm.s32 @!p1 $0x0  }
0x14: {  	s2 =	sld [smem:$0x3F9B];
	s0 =	simm.s32 @p1 $0x1  }
0x15: {  	[smem:$0x3FB8] =	sst s0;
	s0 =	simm.s32 @!p2 $0x0  }
0x16: {  	s3 =	sld [smem:$0x3FDB];
	s0 =	simm.s32 @p2 $0x1  }
0x17: {  	s4 =	simm.s32 $0x1BF5;
	[smem:$0x3FBA] =	sst s0  }
0x18: {  	s0 =	sld [smem:$0x3F9D];
	_ =	swait.ge [sflag:s4], $0x0  }
0x19: {  	s7 =	sld [smem:$0x3F9E]  }
0x1a: {  	s8 =	sadd.s32 $0xFFFFE003, lr  }
0x1b: {  	s9 =	sadd.s32 $0xFFFFFEF7, lr;
	s5 =	simm.s32 $0xFFFFFFFF;
	p2 =	slt.u32 s8, $0xFFFFF086  }
0x1c: {  	p1 =	slt.u32 s9, $0xF7A;
	s5 =	simm.s32 @!p2 $0x0  }
0x1d: {  	s5 =	simm.s32 @p1 $0x1;
	p0 =	seq.s32 s7, s2  }
0x1e: {  	s7 =	smul.u32 @!p0 $0xF7A, s2;
	p2 =	seq.s32 @!p0 s5, $0x0  }
0x1f: {  	s9 =	smul.u32 $0xF7A, s1;
	s8 =	simm.s32 @!p0 $0x1BF5;
	p2 =	por !p2, p0  }
0x20: {  	[sflag:s8] =	ssyncset.s32 @!p0 $0xFFFFF086;
	s6 =	sadd.s32 @!p0 s3, s7;
	s7 =	simm.s32 @!p0 $0x108  }
0x21: {  	s3 =	sadd.s32 s3, s9;
	s6 =	sadd.s32 @!p0 $0x88, s6;
	s7 =	simm.s32 @p2 $0x1082  }
0x22: {  	[simem:s7], [sflag:s8] =	dma.local @!p0 [hbm:s6], $0xF7A  }
0x23: {  	s9 =	sor.u32 $0xD0000000, s2;
	s6 =	simm.s32 $0x108;
	_ =	swait.ge @!p0 [sflag:s8], $0x0  }
0x24: {  	s3 =	sadd.s32 $0x88, s3;
	s6 =	simm.s32 @!p1 $0x1082;
	[sflag:s4] =	ssyncset.s32 $0xFFFFF086  }
0x25: {  	[simem:s6], [sflag:s4] =	dma.local [hbm:s3], $0xF7A  }
0x26: {  	[smem:$0x3F9E] =	sst s1;
	(tag) =	ssettag s2;
	_ =	strace s9  }
0x27: {  	s1 =	sld [smem:$0x3FAE]  }
0x28: {  	s2 =	sld [smem:$0x3FAF]  }
0x29: {  	s4 =	sld [smem:$0x3FB1]  }
0x2a: {  	p0 =	seq.s32 s5, $0x0;
	s5 =	sld [smem:$0x3FB2]  }
0x2b: {  	s6 =	sld [smem:$0x3FB3]  }
0x2c: {  	s7 =	sld [smem:$0x3FB4]  }
0x2d: {  	s3 =	simm.s32 $0x108;
	s8 =	sld [smem:$0x3FB5]  }
0x2e: {  	s3 =	simm.s32 @!p0 $0x1082;
	s9 =	sld [smem:$0x3FB6]  }
0x2f: {  	lr =	sadd.s32 s0, s3;
	s0 =	sld [smem:$0x3FAD]  }
0x30: {  	s3 =	sld [smem:$0x3FB0]  }
0x31: {  	[smem:$0x3FB9] =	sst s10  }
0x32: {  	s10 =	sld [smem:$0x3FB7];
	_ =	sdelay $0x3  }
0x33: {  	p0 =	seq.s32 s10, $0x1;
	s10 =	sld [smem:$0x3FB9];
	_ =	sdelay $0x3  }
0x34: {  	[smem:$0x3FB9] =	sst s10  }
0x35: {  	s10 =	sld [smem:$0x3FB8];
	_ =	sdelay $0x3  }
0x36: {  	p1 =	seq.s32 s10, $0x1;
	s10 =	sld [smem:$0x3FB9];
	_ =	sdelay $0x3  }
0x37: {  	[smem:$0x3FB9] =	sst s10  }
0x38: {  	s10 =	sld [smem:$0x3FBA]  }
0x39: {  	_ = 	snop;
	(pc) =	sbr.ind lr, $3  }
0x3a: {  	_ = 	snop  }
0x3b: {  	_ = 	snop  }
0x3c: {  	p2 =	seq.s32 s10, $0x1;
	s10 =	sld [smem:$0x3FB9]  }
0x3d: {  	_ =	shalt  }
0x3e: {  	_ =	shalt  }
0x3f: {  	_ =	shalt  }
0x40: {  	_ =	shalt  }
0x41: {  	_ =	shalt  }
0x42: {  	_ =	shalt  }
0x43: {  	_ =	shalt  }
0x44: {  	_ =	shalt  }
0x45: {  	_ =	shalt  }
0x46: {  	_ =	shalt  }
0x47: {  	_ =	shalt  }
0x48: {  	_ =	shalt  }
0x49: {  	_ =	shalt  }
0x4a: {  	_ =	shalt  }
0x4b: {  	_ =	shalt  }
0x4c: {  	_ =	shalt  }
0x4d: {  	_ =	shalt  }
0x4e: {  	_ =	shalt  }
0x4f: {  	_ =	shalt  }
0x50: {  	_ =	shalt  }
0x51: {  	_ =	shalt  }
0x52: {  	_ =	shalt  }
0x53: {  	_ =	shalt  }
0x54: {  	_ =	shalt  }
0x55: {  	_ =	shalt  }
0x56: {  	_ =	shalt  }
0x57: {  	_ =	shalt  }
0x58: {  	_ =	shalt  }
0x59: {  	_ =	shalt  }
0x5a: {  	_ =	shalt  }
0x5b: {  	_ =	shalt  }
0x5c: {  	_ =	shalt  }
0x5d: {  	_ =	shalt  }
0x5e: {  	_ =	shalt  }
0x5f: {  	_ =	shalt  }
0x60: {  	_ =	shalt  }
0x61: {  	_ =	shalt  }
0x62: {  	_ =	shalt  }
0x63: {  	_ =	shalt  }
0x64: {  	_ =	shalt  }
0x65: {  	_ =	shalt  }
0x66: {  	_ =	shalt  }
0x67: {  	_ =	shalt  }
0x68: {  	_ =	shalt  }
0x69: {  	_ =	shalt  }
0x6a: {  	_ =	shalt  }
0x6b: {  	_ =	shalt  }
0x6c: {  	_ =	shalt  }
0x6d: {  	_ =	shalt  }
0x6e: {  	_ =	shalt  }
0x6f: {  	_ =	shalt  }
0x70: {  	_ =	shalt  }
0x71: {  	_ =	shalt  }
0x72: {  	_ =	shalt  }
0x73: {  	_ =	shalt  }
0x74: {  	_ =	shalt  }
0x75: {  	_ =	shalt  }
0x76: {  	_ =	shalt  }
0x77: {  	_ =	shalt  }
0x78: {  	_ =	shalt  }
0x79: {  	_ =	shalt  }
0x7a: {  	_ =	shalt  }
0x7b: {  	_ =	shalt  }
0x7c: {  	_ =	shalt  }
0x7d: {  	_ =	shalt  }
0x7e: {  	_ =	shalt  }
0x7f: {  	_ =	shalt  }
0x80: {  	_ =	shalt  }
0x81: {  	_ =	shalt  }
0x82: {  	_ =	shalt  }
0x83: {  	_ =	shalt  }
0x84: {  	_ =	shalt  }
0x85: {  	_ =	shalt  }
0x86: {  	_ =	shalt  }
0x87: {  	_ =	shalt  }
.Lfunc_end0:
.L_simem_size_0:
called_computation_lowered:
.L_overlay_start_0:
0x88: {  	s2 =	sld [smem:$0x3FD9]  }
0x89: {  	s3 =	sld [smem:$0x3FFE];
	_ =	sdelay $0x1  }
0x8a: {  	s1 =	srdreg.scid  }
0x8b: {  	s0 =	sand.u32 $0x1, s1  }
0x8c: {  	s17 =	sshll.u32 s0, $0xA;
	s2 =	sadd.s32 s3, s2  }
0x8d: {  	s2 =	sadd.s32 s2, s17  }
0x8e: {  	[smem:$0x3FC5] =	sst s2  }
0x8f: {  	_ = 	snop  }
0x90: {  	s2 =	sld [smem:$0x3FD0];
	(tm) =	ssettm $0x1  }
0x91: {  	s18 =	sld [smem:$0x3FFB];
	_ =	sdelay $0x3  }
0x92: {  	_ =	strace s18  }
0x93: {  	s3 =	sld [smem:$0x3FFC];
	_ =	sdelay $0x3  }
0x94: {  	_ =	strace s3  }
0x95: {  	s3 =	sld [smem:$0x3FFD];
	_ =	sdelay $0x3  }
0x96: {  	_ =	strace s3  }
0x97: {  	_ =	strace $0x8FFFFFFF  }
0x98: {  	s19 =	sld [smem:$0x3FDB];
	_ =	sdelay $0x1  }
0x99: {  	s4 =	simm.s32 $_scs_section_size  }
0x9a: {  	s5 =	simm.s32 $_size__tile_overlayer_lowered;
	s6 =	simm.s32 $_tile_overlayer_lowered  }
0x9b: {  	s22 =	simm.s32 $0x1BFF;
	s21 =	sshll.u32 s6, $0x1;
	s3 =	sadd.s32 s4, s19  }
0x9c: {  	s7 =	simm.s32 $0x0;
	s20 =	sshll.u32 s5, $0x1;
	s5 =	sadd.s32 s21, s3  }
0x9d: {  	[timem:s7], [sflag:s22] =	dma.local [hbm:s5], s20  }
0x9e: {  	_ =	swait.ge [sflag:s22], s20  }
0x9f: {  	s4 =	ssub.s32 $0x0, s20;
	[sflag:s22] =	ssyncset.done $0x0  }
0xa0: {  	[sflag:s22] =	ssyncadd.s32 s4;
	_ =	sdelay $0x1  }
0xa1: {  	s23 =	simm.s32 $0x1B8B  }
0xa2: {  	_ =	swait.ge [sflag:s23], $0x1  }
0xa3: {  	[sflag:s23] =	ssyncset.done $0x0  }
0xa4: {  	s25 =	simm.s32 $0x1B8E;
	s24 =	sld [smem:$0x3FFE];
	[sflag:s23] =	ssyncadd.s32 $0xFFFFFFFF  }
0xa5: {  	s26 =	simm.s32 $execute0_lowered;
	[smem:$0x3FD2] =	sst s25  }
0xa6: {  	s5 =	sshll.u32 s26, $0x1;
	_ =	strace $0x80000046;
	[dreg:$0x1] =	wrdreg $0xFFFFFFFF  }
0xa7: {  	s28 =	simm.s32 $_size_execute0_lowered;
	s3 =	sadd.s32 s3, s5;
	[dreg:$0x0] =	wrdreg $0x0  }
0xa8: {  	s5 =	sshll.u32 s28, $0x1;
	[dreg:$0x2] =	wrdreg s3  }
0xa9: {  	[dreg:$0x3] =	wrdreg s5  }
0xaa: {  	[dreg:$0x4] =	wrdreg $0xC0  }
0xab: {  	_ =	task [dreg:s7], $0x5FFFF  }
0xac: {  	[dreg:$0x1] =	wrdreg $0xFFFFFFFF  }
0xad: {  	[dreg:$0x0] =	wrdreg $0x60  }
0xae: {  	[dreg:$0x2] =	wrdreg s24  }
0xaf: {  	[dreg:$0x3] =	wrdreg s2  }
0xb0: {  	[dreg:$0x4] =	wrdreg $0x9  }
0xb1: {  	_ =	task.clear_ibuf [dreg:s7], $0x5FFFF;
	_ =	strace $0x90000046  }
0xb2: {  	s29 =	simm.s32 $0x9;
	_ =	strace $0x80000048  }
0xb3: {  	_ =	swait.ge [sflag:s29], $0x1  }
0xb4: {  	[sflag:s29] =	ssyncadd.s32 $0xFFFFFFFF  }
0xb5: {  	_ =	strace $0x90000048  }
0xb6: {  	_ =	sfence  }
0xb7: {  	s30 =	sld [smem:$0x0];
	_ =	sdelay $0x2  }
0xb8: {  	s31 =	sshll.u32 s1, $0xD;
	s1 =	sshrl.u32 s1, $0x2  }
0xb9: {  	s3 =	sand.u32 $0x4000, s31;
	s1 =	sadd.s32 s1, s30  }
0xba: {  	s0 =	sor.u32 s3, s0;
	s1 =	sshll.u32 s1, $0x11  }
0xbb: {  	s0 =	sor.u32 s1, s0  }
0xbc: {  	s0 =	sadd.s32 $0x8F2B, s0  }
0xbd: {  	[sflag:s0] =	ssyncadd.remote.s32 $0x1  }
0xbe: {  	_ =	sfence.sel $0xFFFF  }
0xbf: {  	[dreg:$0x0] =	wrdreg $0xFFFFFFFF;
	(pc) =	sbr.abs _section_cstart, $3  }
0xc0: {  	[dreg:$0x1] =	wrdreg $0xFFFFFFFF  }
0xc1: {  	_ =	task.clear_ibuf [dreg:s7], $0x2FFFF;
	_ =	strace $0x9FFFFFFF  }
0xc2: {  	(tm) =	ssettm $0x7FFFFFFF  }
0xc3: {  	_ =	shalt  }
tec
execute0_lowered:
.L_overlay_start_1:
0x0: {  	(tag) =	ssettag $0x1  }
0x1: {  	s0 =	rddreg [dreg:$0x0]  }
0x2: {  	s2 =	rddreg [dreg:$0x1];
	s1 =	srdreg.scid  }
0x3: {  	s4 =	stileid.u32;
	s3 =	simm.s32 $0x0;
	s15 =	simm.s32 $0x200  }
0x4: {  	s16 =	simm.s32 $0x2;
	s1 =	sand.u32 $0x1, s1;
	s4 =	sshll.u32 s4, $0x1  }
0x5: {  	s17 =	simm.s32 $0x2780;
	s18 =	simm.s32 $0x4F00;
	s4 =	sor.u32 s1, s4  }
0x6: {  	[smem:$0x7FF] =	sst s3;
	s20 =	sadd.s32 $0x27800, s0;
	s9 =	smul.u32 $0x13C0, s4  }
0x7: {  	s12 =	sadd.s32 $0x27E00, s0;
	_ =	strace $0x80000047;
	s1 =	ssub.s32 $0x2, s1  }
0x8: {  	[dreg:$0x4] =	wrdreg s20;
	s5 =	sshrl.u32 s1, $0x1;
	s21 =	sadd.s32 s0, s9  }
0x9: {  	s1 =	ssub.s32 s1, s5;
	s24 =	sadd.s32 s12, s9;
	[dreg:$0x5] =	wrdreg s21  }
0xa: {  	s10 =	sor.u32 $0x10, s9;
	s31 =	smax.u32 s1, $0x1;
	[dreg:$0x9] =	wrdreg s24  }
0xb: {  	s11 =	sor.u32 $0x20, s9;
	s22 =	sadd.s32 s0, s10;
	[dreg:$0xd] =	wrdreg s31  }
0xc: {  	s13 =	sor.u32 $0x30, s9;
	s23 =	sadd.s32 s0, s11;
	[dreg:$0x6] =	wrdreg s22  }
0xd: {  	s19 =	simm.s32 $0x7680;
	s0 =	sadd.s32 s0, s13;
	[dreg:$0x7] =	wrdreg s23  }
0xe: {  	s28 =	simm.s32 $0x0;
	s25 =	sadd.s32 s12, s10;
	[dreg:$0x8] =	wrdreg s0  }
0xf: {  	s29 =	simm.s32 $0x0;
	s26 =	sadd.s32 s12, s11;
	[dreg:$0xa] =	wrdreg s25  }
0x10: {  	s1 =	simm.s32 $0x80;
	s30 =	sadd.s32 s12, s13;
	[dreg:$0xb] =	wrdreg s26  }
0x11: {  	s24 =	simm.s32 $0xC580;
	[dreg:$0xc] =	wrdreg s30;
	s22 =	simm.s32 $0x1  }
0x12: {  	v0 =	vimm.f32 $-Inf;
	s23 =	simm.s32 $0x9E00;
	s25 =	simm.s32 $0xED00;
	s26 =	simm.s32 $0x11480  }
.LBB2_1:
0x13: {  	s0 =	rddreg [dreg:$0x5]  }
0x14: {  	[tilespmem:s3], [sflag:$0x2] =	stream.strided.gather [hbm4b:s0+s1], $0x2780, s15, s1, $0x38;
	[tilespmem:$0x1E080] =	vst v63  }
0x15: {  	_ =	swait.ge [sflag:s16], $0x2780  }
0x16: {  	[sflag:s16] =	ssyncset.done $0x0  }
0x17: {  	s14 =	rddreg [dreg:$0x6];
	[sflag:s16] =	ssyncadd.s32 $0xFFFFD880  }
0x18: {  	[tilespmem:s17], [sflag:$0x2] =	stream.strided.gather [hbm4b:s14+s1], $0x2780, s15, s1, $0x38;
	[tilespmem:$0x1E080] =	vst v63  }
0x19: {  	_ =	swait.ge [sflag:s16], $0x2780  }
0x1a: {  	[sflag:s16] =	ssyncset.done $0x0  }
0x1b: {  	s20 =	rddreg [dreg:$0x7];
	[sflag:s16] =	ssyncadd.s32 $0xFFFFD880  }
0x1c: {  	[tilespmem:s18], [sflag:$0x2] =	stream.strided.gather [hbm4b:s20+s1], $0x2780, s15, s1, $0x38;
	[tilespmem:$0x1E080] =	vst v63  }
0x1d: {  	_ =	swait.ge [sflag:s16], $0x2780  }
0x1e: {  	[sflag:s16] =	ssyncset.done $0x0  }
0x1f: {  	s21 =	rddreg [dreg:$0x8];
	[sflag:s16] =	ssyncadd.s32 $0xFFFFD880  }
0x20: {  	[tilespmem:s19], [sflag:$0x2] =	stream.strided.gather [hbm4b:s21+s1], $0x2780, s15, s1, $0x38;
	[tilespmem:$0x1E080] =	vst v63  }
0x21: {  	_ =	swait.ge [sflag:s16], $0x2780  }
0x22: {  	[sflag:s16] =	ssyncset.done $0x0  }
0x23: {  	s31 =	simm.s32 $0x13C00;
	s30 =	rddreg [dreg:$0x4];
	[sflag:s16] =	ssyncadd.s32 $0xFFFFD880  }
0x24: {  	[tilespmem:s31], [sflag:$0x2] =	stream.linear.gather [hbm4b:s30+s3], $0x2780, $0x38;
	[tilespmem:$0x1E080] =	vst v63  }
0x25: {  	_ =	swait.ge [sflag:s16], $0x2780  }
0x26: {  	[sflag:s16] =	ssyncset.done $0x0  }
0x27: {  	s0 =	simm.s32 $0x0;
	[sflag:s16] =	ssyncadd.s32 $0xFFFFD880  }
0x28: {  	v1 =	vld [tilespmem:s0+$0x13C00]  }
0x29: {  	v4 =	vld [tilespmem:s0+$0x0]  }
0x2a: {  	v3 =	vld [tilespmem:s0+$0x2780]  }
0x2b: {  	s1 =	simm.s32 $0x40;
	v2 =	vld [tilespmem:s0+$0x4F00]  }
.LBB2_2:
0x2c: {  	p0 =	sne.s32 s1, $0x9C00;
	[tilespmem:s0+$0x9E00] =	vst v0;
	v5 =	vld [tilespmem:s0+$0x7680]  }
0x2d: {  	[tilespmem:s0+$0xC580] =	vst v0;
	v6 =	vmov v1  }
0x2e: {  	v4 =	vmul.f32 v4, v6;
	[tilespmem:s0+$0xED00] =	vst v0  }
.Ltmp0:
0x2f: {  	s20 =	sshra.s32 s1, $0x2;
	v3 =	vmul.f32 v3, v6;
	[tilespmem:s0+$0x11480] =	vst v0;
	(pc) =	sbr.rel @p0 .LBB2_2-.Ltmp0, $4  }
0x30: {  	v1 =	vld [tilespmem:s20+$0x13C00];
	[tilespmem:s0+$0x0] =	vst v4;
	v2 =	vmul.f32 v2, v6  }
0x31: {  	v4 =	vld [tilespmem:s20+$0x0];
	[tilespmem:s0+$0x2780] =	vst v3;
	v5 =	vmul.f32 v5, v6  }
0x32: {  	v3 =	vld [tilespmem:s20+$0x2780];
	[tilespmem:s0+$0x4F00] =	vst v2  }
0x33: {  	s1 =	sadd.s32 $0x40, s1;
	v2 =	vld [tilespmem:s20+$0x4F00];
	[tilespmem:s0+$0x7680] =	vst v5;
	s0 =	smov.u32 s20  }
0x34: {  	[tilespmem:s0+$0x9E00] =	vst v0;
	v5 =	vld [tilespmem:s0+$0x7680]  }
0x35: {  	[tilespmem:s0+$0xC580] =	vst v0  }
0x36: {  	[tilespmem:s0+$0xED00] =	vst v0;
	v4 =	vmul.f32 v4, v1  }
0x37: {  	[tilespmem:s0+$0x11480] =	vst v0;
	v3 =	vmul.f32 v3, v1  }
0x38: {  	[tilespmem:s0+$0x0] =	vst v4;
	v2 =	vmul.f32 v2, v1  }
0x39: {  	[tilespmem:s0+$0x2780] =	vst v3;
	v1 =	vmul.f32 v5, v1  }
0x3a: {  	[tilespmem:s0+$0x4F00] =	vst v2  }
0x3b: {  	s31 =	simm.s32 $0x16380;
	s30 =	simm.s32 $0x0;
	[tilespmem:s0+$0x7680] =	vst v1  }
0x3c: {  	[tilespmem:s31], [sflag:$0x1] =	stream.linear.gather [hbm4b:s2+s29], $0x3E80, $0x38;
	[tilespmem:$0x1E080] =	vst v63  }
.LBB2_5:
0x3d: {  	s0 =	smov.u32 s30;
	s1 =	sand.u32 $0x1, s30  }
0x3e: {  	s30 =	sadd.s32 $0x1, s30;
	s9 =	simm.s32 $0x40;
	s10 =	simm.s32 $0x70  }
0x3f: {  	s11 =	simm.s32 $0x30;
	s31 =	simm.s32 $0x60;
	s4 =	simm.s32 $0x20  }
0x40: {  	s6 =	simm.s32 $0x90;
	p0 =	seq.s32 s1, $0x1;
	s1 =	simm.s32 $0x3E80  }
0x41: {  	s4 =	sand.u32 $0x60, s4;
	s1 =	simm.s32 @!p0 $0x0;
	p0 =	seq.s32 s0, $0x13  }
0x42: {  	s6 =	sand.u32 $0x70, s6;
	[dreg:$0x3] =	wrdreg s1;
	s0 =	sand.u32 @!p0 $0x1, s30  }
0x43: {  	s1 =	smul.u32 @!p0 $0x7D0, s30;
	s20 =	simm.s32 @!p0 $0x0;
	_ =	swait.ge [sflag:s22], $0x3E80  }
0x44: {  	p1 =	seq.s32 @!p0 s0, $0x1;
	s0 =	simm.s32 @!p0 $0x1A200;
	[sflag:s22] =	ssyncset.done $0x0  }
0x45: {  	p1 =	por !p1, p0;
	s1 =	sadd.s32 @!p0 s2, s1;
	s21 =	rddreg [dreg:$0x3]  }
0x46: {  	[sflag:s22] =	ssyncadd.s32 $0xFFFFC180;
	s0 =	simm.s32 @p1 $0x16380;
	s21 =	sadd.s32 $0x0, s21  }
0x47: {  	[tilespmem:s0], [sflag:$0x1] =	stream.linear.gather @!p0 [hbm4b:s1+s20], $0x3E80, $0x38;
	[tilespmem:$0x1E080] =	vst v63  }
0x48: {  	s8 =	sand.u32 $0x60, s31;
	s11 =	sand.u32 $0x70, s11;
	s5 =	sadd.s32 $0x20, s21  }
0x49: {  	s1 =	sand.u32 $0x70, s10;
	s7 =	sadd.s32 $0x70, s21;
	s5 =	sand.u32 $0x1FF80, s5  }
0x4a: {  	s12 =	sadd.s32 $0x90, s21;
	s7 =	sand.u32 $0x1FF80, s7;
	s4 =	sor.u32 s4, s5  }
0x4b: {  	s13 =	sand.u32 $0xFF80, s21;
	s5 =	sand.u32 $0x1FF80, s12;
	s1 =	sor.u32 s1, s7;
	v4 =	vld [tilespmem:s4+$0x16380]  }
0x4c: {  	s14 =	sadd.s32 $0x60, s21;
	s7 =	sand.u32 $0x60, s29;
	s5 =	sor.u32 s6, s5;
	v6 =	vld [tilespmem:s1+$0x16380]  }
0x4d: {  	s0 =	sand.u32 $0x60, s9;
	s10 =	sadd.s32 $0x30, s21;
	s6 =	sor.u32 s7, s13;
	v5 =	vld [tilespmem:s5+$0x16380]  }
0x4e: {  	s9 =	sadd.s32 $0x40, s21;
	s4 =	sand.u32 $0x1FF80, s10;
	v3 =	vld [tilespmem:s6+$0x16380];
	s6 =	sadd.s32 $0x16380, s6  }
0x4f: {  	s20 =	sadd.s32 $0x80, s21;
	s5 =	sand.u32 $0x1FF80, s14;
	s4 =	sor.u32 s11, s4;
	v16 =	vld [tilespmem:s6+$0x10]  }
0x50: {  	s12 =	simm.s32 $0x50;
	s1 =	sor.u32 s8, s5;
	s5 =	sand.u32 $0x1FF80, s9;
	v19 =	vld [tilespmem:s4+$0x16380];
	v21 =	vand.u32 $0x3FFF, v4  }
0x51: {  	s13 =	sadd.s32 $0x50, s21;
	s21 =	sand.u32 $0x1FF80, s20;
	s0 =	sor.u32 s0, s5;
	v13 =	vld [tilespmem:s1+$0x16380]  }
0x52: {  	s14 =	sand.u32 $0x70, s12;
	s1 =	sor.u32 s7, s21;
	v17 =	vld [tilespmem:s0+$0x16380];
	s0 =	sand.u32 $0x1FF80, s13;
	v27 =	vand.u32 $0x3FFF, v6  }
0x53: {  	v7 =	vld [tilespmem:s1+$0x16380];
	s0 =	sor.u32 s14, s0  }
0x54: {  	v20 =	vld [tilespmem:s0+$0x16380]  }
0x55: {  	v23 =	vld.idx.msk [tilespmem:v21+s18+$0x0], $0xffff  }
0x56: {  	v28 =	vld.idx.msk [tilespmem:v21+s17+$0x0], $0xffff  }
0x57: {  	v18 =	vand.u32 $0x3FFF, v5;
	v14 =	vld.idx.msk [tilespmem:v27+s17+$0x0], $0xffff  }
0x58: {  	v12 =	vld.idx.msk [tilespmem:v27+s19+$0x0], $0xffff  }
0x59: {  	v8 =	vand.u32 $0x3FFF, v3;
	v15 =	vld.idx.msk [tilespmem:v27+s18+$0x0], $0xffff  }
0x5a: {  	v37 =	vld.idx.msk [tilespmem:v21+s19+$0x0], $0xffff  }
0x5b: {  	v21 =	vld.idx.msk [tilespmem:v21+s3+$0x0], $0xffff  }
0x5c: {  	v2 =	vld.idx.msk [tilespmem:v18+s3+$0x0], $0xffff  }
0x5d: {  	v1 =	vld.idx.msk [tilespmem:v18+s17+$0x0], $0xffff  }
0x5e: {  	v9 =	vand.u32 $0x3FFF, v16;
	v22 =	vld.idx.msk [tilespmem:v8+s19+$0x0], $0xffff  }
0x5f: {  	v11 =	vld.idx.msk [tilespmem:v8+s18+$0x0], $0xffff  }
0x60: {  	v10 =	vld.idx.msk [tilespmem:v8+s17+$0x0], $0xffff  }
0x61: {  	v30 =	vld.idx.msk [tilespmem:v8+s3+$0x0], $0xffff  }
0x62: {  	v51 =	vshrl.u32 v4, $0xE;
	v32 =	vand.u32 $0x3FFF, v19;
	v4 =	vld.idx.msk [tilespmem:v18+s18+$0x0], $0xffff  }
0x63: {  	v24 =	vld.idx.msk [tilespmem:v9+s19+$0x0], $0xffff  }
0x64: {  	v3 =	vshrl.u32 v3, $0xE;
	v29 =	vand.u32 $0x3FFF, v7;
	v25 =	vld.idx.msk [tilespmem:v9+s18+$0x0], $0xffff  }
0x65: {  	v26 =	vld.idx.msk [tilespmem:v9+s17+$0x0], $0xffff;
	(xrf1) =	vsort.ascd.msk.f32 $0xffff, v10, v3  }
0x66: {  	v38 =	vand.u32 $0x3FFF, v17;
	v31 =	vld.idx.msk [tilespmem:v9+s3+$0x0], $0xffff;
	(xrf1) =	vsort.ascd.msk.f32 $0xffff, v11, v3  }
0x67: {  	v60 =	vld.idx.msk [tilespmem:v32+s19+$0x0], $0xffff;
	(xrf1) =	vsort.ascd.msk.f32 $0xffff, v22, v3  }
0x68: {  	v61 =	vld.idx.msk [tilespmem:v32+s18+$0x0], $0xffff;
	(xrf1) =	vsort.ascd.msk.f32 $0xffff, v30, v3  }
0x69: {  	v33 =	vand.u32 $0x3FFF, v20;
	v8 =	vld.idx.msk [tilespmem:v29+s19+$0x0], $0xffff  }
0x6a: {  	v9 =	vld.idx.msk [tilespmem:v29+s18+$0x0], $0xffff  }
0x6b: {  	v50 =	vld.idx.msk [tilespmem:v38+s18+$0x0], $0xffff  }
0x6c: {  	v52 =	vld.idx.msk [tilespmem:v38+s17+$0x0], $0xffff  }
0x6d: {  	v10 =	vld.idx.msk [tilespmem:v29+s17+$0x0], $0xffff  }
0x6e: {  	v34 =	vld.idx.msk [tilespmem:v33+s19+$0x0], $0xffff  }
0x6f: {  	v35 =	vld.idx.msk [tilespmem:v33+s18+$0x0], $0xffff  }
0x70: {  	v16 =	vshrl.u32 v16, $0xE;
	v36 =	vld.idx.msk [tilespmem:v33+s17+$0x0], $0xffff;
	v3 =	vand.u32 $0x3FFF, v13  }
0x71: {  	v33 =	vld.idx.msk [tilespmem:v33+s3+$0x0], $0xffff;
	(xrf1) =	vsort.ascd.msk.f32 $0xffff, v26, v16  }
0x72: {  	v11 =	vld.idx.msk [tilespmem:v29+s3+$0x0], $0xffff;
	(xrf1) =	vsort.ascd.msk.f32 $0xffff, v31, v16  }
0x73: {  	v30 =	vld.idx.msk [tilespmem:v32+s17+$0x0], $0xffff;
	v62, v40, _ =	vpop (xrf1)  }
0x74: {  	v32 =	vld.idx.msk [tilespmem:v32+s3+$0x0], $0xffff;
	v42, v43, _ =	vpop (xrf1);
	(xrf1) =	vsort.ascd.msk.f32 $0xffff, v25, v16  }
0x75: {  	v39 =	vld.idx.msk [tilespmem:v3+s19+$0x0], $0xffff;
	v44, v45, _ =	vpop (xrf1);
	(xrf1) =	vsort.ascd.msk.f32 $0xffff, v24, v16  }
0x76: {  	v26 =	vld.idx.msk [tilespmem:v3+s17+$0x0], $0xffff;
	v63, v46, _ =	vpop (xrf1)  }
0x77: {  	v41 =	vld.idx.msk [tilespmem:v3+s3+$0x0], $0xffff  }
0x78: {  	v25 =	vld.idx.msk [tilespmem:v3+s18+$0x0], $0xffff  }
0x79: {  	v48 =	vld.idx.msk [tilespmem:v40+s24+$0x0], $0xffff  }
0x7a: {  	v49 =	vld.idx.msk [tilespmem:v46+s23+$0x0], $0xffff  }
0x7b: {  	v3 =	vld.idx.msk [tilespmem:v18+s19+$0x0], $0xffff  }
0x7c: {  	(xrf1) =	vsort.ascd.msk.f32 $0xffff, v21, v51;
	v47 =	vld.idx.msk [tilespmem:v43+s25+$0x0], $0xffff  }
0x7d: {  	(xrf1) =	vsort.ascd.msk.f32 $0xffff, v28, v51;
	v53 =	vld.idx.msk [tilespmem:v45+s26+$0x0], $0xffff  }
0x7e: {  	v18 =	vld.idx.msk [tilespmem:v27+s3+$0x0], $0xffff;
	(xrf1) =	vsort.ascd.msk.f32 $0xffff, v23, v51  }
0x7f: {  	v16 =	vld.idx.msk [tilespmem:v38+s3+$0x0], $0xffff;
	v54, v55, _ =	vpop (xrf1);
	(xrf1) =	vsort.ascd.msk.f32 $0xffff, v37, v51;
	v31 =	vmax.f32 v48, v62;
	v24 =	vmax.f32 v49, v63  }
0x80: {  	v28 =	vld.idx.msk [tilespmem:v38+s19+$0x0], $0xffff;
	v56, v57, _ =	vpop (xrf1);
	[tilespmem:v46+s23+$0x0] =	vst.idx.msk $0xffff, v24  }
0x81: {  	v58 =	vmax.f32 v47, v42;
	[tilespmem:v40+s24+$0x0] =	vst.idx.msk $0xffff, v31  }
0x82: {  	v21 =	vmax.f32 v53, v44;
	v31, v40, _ =	vpop (xrf1);
	[tilespmem:v43+s25+$0x0] =	vst.idx.msk $0xffff, v58  }
0x83: {  	v19 =	vshrl.u32 v19, $0xE;
	v59, v42, _ =	vpop (xrf1);
	[tilespmem:v45+s26+$0x0] =	vst.idx.msk $0xffff, v21  }
0x84: {  	(xrf1) =	vsort.ascd.msk.f32 $0xffff, v61, v19;
	v21 =	vld.idx.msk [tilespmem:v57+s23+$0x0], $0xffff  }
0x85: {  	(xrf1) =	vsort.ascd.msk.f32 $0xffff, v60, v19;
	v60 =	vld.idx.msk [tilespmem:v55+s24+$0x0], $0xffff  }
0x86: {  	(xrf1) =	vsort.ascd.msk.f32 $0xffff, v32, v19;
	v61 =	vld.idx.msk [tilespmem:v40+s25+$0x0], $0xffff  }
0x87: {  	(xrf1) =	vsort.ascd.msk.f32 $0xffff, v30, v19;
	v62 =	vld.idx.msk [tilespmem:v42+s26+$0x0], $0xffff;
	_ =	sdelay $0x1  }
0x88: {  	v21 =	vmax.f32 v21, v56  }
0x89: {  	v45, v63, _ =	vpop (xrf1);
	v46 =	vmax.f32 v60, v54;
	[tilespmem:v57+s23+$0x0] =	vst.idx.msk $0xffff, v21  }
0x8a: {  	v22, v23, _ =	vpop (xrf1);
	[tilespmem:v55+s24+$0x0] =	vst.idx.msk $0xffff, v46;
	v47 =	vmax.f32 v61, v31  }
0x8b: {  	v48, v49, _ =	vpop (xrf1);
	[tilespmem:v40+s25+$0x0] =	vst.idx.msk $0xffff, v47;
	v19 =	vmax.f32 v62, v59  }
0x8c: {  	v51, v53, _ =	vpop (xrf1);
	[tilespmem:v42+s26+$0x0] =	vst.idx.msk $0xffff, v19  }
0x8d: {  	v19 =	vld.idx.msk [tilespmem:v63+s23+$0x0], $0xffff  }
0x8e: {  	v17 =	vshrl.u32 v17, $0xE;
	v54 =	vld.idx.msk [tilespmem:v23+s24+$0x0], $0xffff  }
0x8f: {  	(xrf1) =	vsort.ascd.msk.f32 $0xffff, v16, v17;
	v16 =	vld.idx.msk [tilespmem:v49+s25+$0x0], $0xffff  }
0x90: {  	(xrf1) =	vsort.ascd.msk.f32 $0xffff, v52, v17;
	v55 =	vld.idx.msk [tilespmem:v53+s26+$0x0], $0xffff  }
0x91: {  	v56, v57, _ =	vpop (xrf1);
	(xrf1) =	vsort.ascd.msk.f32 $0xffff, v50, v17  }
0x92: {  	v59, v58, _ =	vpop (xrf1);
	(xrf1) =	vsort.ascd.msk.f32 $0xffff, v28, v17;
	v17 =	vmax.f32 v19, v45  }
0x93: {  	v61, v60, _ =	vpop (xrf1);
	[tilespmem:v63+s23+$0x0] =	vst.idx.msk $0xffff, v17;
	v17 =	vmax.f32 v54, v22  }
0x94: {  	v16 =	vmax.f32 v16, v48;
	v63, v62, _ =	vpop (xrf1);
	[tilespmem:v23+s24+$0x0] =	vst.idx.msk $0xffff, v17  }
0x95: {  	[tilespmem:v49+s25+$0x0] =	vst.idx.msk $0xffff, v16;
	v16 =	vmax.f32 v55, v51  }
0x96: {  	[tilespmem:v53+s26+$0x0] =	vst.idx.msk $0xffff, v16  }
0x97: {  	v16 =	vld.idx.msk [tilespmem:v60+s23+$0x0], $0xffff  }
0x98: {  	v17 =	vshrl.u32 v20, $0xE;
	v37 =	vld.idx.msk [tilespmem:v62+s24+$0x0], $0xffff  }
0x99: {  	(xrf1) =	vsort.ascd.msk.f32 $0xffff, v33, v17;
	v44 =	vld.idx.msk [tilespmem:v57+s25+$0x0], $0xffff  }
0x9a: {  	(xrf1) =	vsort.ascd.msk.f32 $0xffff, v36, v17;
	v23 =	vld.idx.msk [tilespmem:v58+s26+$0x0], $0xffff  }
0x9b: {  	(xrf1) =	vsort.ascd.msk.f32 $0xffff, v35, v17  }
0x9c: {  	(xrf1) =	vsort.ascd.msk.f32 $0xffff, v34, v17;
	v16 =	vmax.f32 v16, v61  }
0x9d: {  	v17, v45, _ =	vpop (xrf1);
	[tilespmem:v60+s23+$0x0] =	vst.idx.msk $0xffff, v16;
	v16 =	vmax.f32 v37, v63  }
0x9e: {  	v20, v22, _ =	vpop (xrf1);
	[tilespmem:v62+s24+$0x0] =	vst.idx.msk $0xffff, v16;
	v16 =	vmax.f32 v44, v56  }
0x9f: {  	v47, v46, _ =	vpop (xrf1);
	[tilespmem:v57+s25+$0x0] =	vst.idx.msk $0xffff, v16;
	v16 =	vmax.f32 v23, v59  }
0xa0: {  	v49, v48, _ =	vpop (xrf1);
	[tilespmem:v58+s26+$0x0] =	vst.idx.msk $0xffff, v16  }
0xa1: {  	v16 =	vld.idx.msk [tilespmem:v45+s23+$0x0], $0xffff  }
0xa2: {  	v13 =	vshrl.u32 v13, $0xE;
	v28 =	vld.idx.msk [tilespmem:v22+s24+$0x0], $0xffff  }
0xa3: {  	(xrf1) =	vsort.ascd.msk.f32 $0xffff, v41, v13;
	v29 =	vld.idx.msk [tilespmem:v46+s25+$0x0], $0xffff  }
0xa4: {  	(xrf1) =	vsort.ascd.msk.f32 $0xffff, v26, v13;
	v30 =	vld.idx.msk [tilespmem:v48+s26+$0x0], $0xffff  }
0xa5: {  	(xrf1) =	vsort.ascd.msk.f32 $0xffff, v25, v13  }
0xa6: {  	(xrf1) =	vsort.ascd.msk.f32 $0xffff, v39, v13;
	v16 =	vmax.f32 v16, v17  }
0xa7: {  	v13, v17, _ =	vpop (xrf1);
	[tilespmem:v45+s23+$0x0] =	vst.idx.msk $0xffff, v16;
	v16 =	vmax.f32 v28, v20  }
0xa8: {  	v50, v51, _ =	vpop (xrf1);
	[tilespmem:v22+s24+$0x0] =	vst.idx.msk $0xffff, v16;
	v16 =	vmax.f32 v29, v47  }
0xa9: {  	v53, v52, _ =	vpop (xrf1);
	[tilespmem:v46+s25+$0x0] =	vst.idx.msk $0xffff, v16;
	v16 =	vmax.f32 v30, v49  }
0xaa: {  	v55, v54, _ =	vpop (xrf1);
	[tilespmem:v48+s26+$0x0] =	vst.idx.msk $0xffff, v16  }
0xab: {  	v16 =	vld.idx.msk [tilespmem:v17+s23+$0x0], $0xffff  }
0xac: {  	v6 =	vshrl.u32 v6, $0xE;
	v56 =	vld.idx.msk [tilespmem:v51+s24+$0x0], $0xffff  }
0xad: {  	(xrf1) =	vsort.ascd.msk.f32 $0xffff, v18, v6;
	v57 =	vld.idx.msk [tilespmem:v52+s25+$0x0], $0xffff  }
0xae: {  	(xrf1) =	vsort.ascd.msk.f32 $0xffff, v14, v6;
	v58 =	vld.idx.msk [tilespmem:v54+s26+$0x0], $0xffff;
	_ =	sdelay $0x1  }
0xaf: {  	v13 =	vmax.f32 v16, v13  }
0xb0: {  	(xrf1) =	vsort.ascd.msk.f32 $0xffff, v15, v6;
	v14, v15, _ =	vpop (xrf1);
	[tilespmem:v17+s23+$0x0] =	vst.idx.msk $0xffff, v13;
	v13 =	vmax.f32 v56, v50  }
0xb1: {  	(xrf1) =	vsort.ascd.msk.f32 $0xffff, v12, v6;
	v16, v17, _ =	vpop (xrf1);
	v6 =	vmax.f32 v57, v53;
	[tilespmem:v51+s24+$0x0] =	vst.idx.msk $0xffff, v13  }
0xb2: {  	v59, v60, _ =	vpop (xrf1);
	[tilespmem:v52+s25+$0x0] =	vst.idx.msk $0xffff, v6;
	v6 =	vmax.f32 v58, v55  }
0xb3: {  	v62, v61, _ =	vpop (xrf1);
	[tilespmem:v54+s26+$0x0] =	vst.idx.msk $0xffff, v6  }
0xb4: {  	v6 =	vld.idx.msk [tilespmem:v15+s23+$0x0], $0xffff  }
0xb5: {  	v13 =	vld.idx.msk [tilespmem:v17+s24+$0x0], $0xffff  }
0xb6: {  	v22 =	vld.idx.msk [tilespmem:v60+s25+$0x0], $0xffff  }
0xb7: {  	v63 =	vld.idx.msk [tilespmem:v61+s26+$0x0], $0xffff;
	_ =	sdelay $0x1  }
0xb8: {  	v14 =	vmax.f32 v6, v14  }
0xb9: {  	v12, v6, _ =	vpop (xrf1);
	[tilespmem:v15+s23+$0x0] =	vst.idx.msk $0xffff, v14;
	v14 =	vmax.f32 v13, v16;
	v16 =	vshrl.u32 v7, $0xE  }
0xba: {  	v13, v7, _ =	vpop (xrf1);
	[tilespmem:v17+s24+$0x0] =	vst.idx.msk $0xffff, v14;
	v14 =	vmax.f32 v22, v59;
	(xrf1) =	vsort.ascd.msk.f32 $0xffff, v11, v16  }
0xbb: {  	v11 =	vmax.f32 v63, v62;
	[tilespmem:v60+s25+$0x0] =	vst.idx.msk $0xffff, v14  }
0xbc: {  	(xrf1) =	vsort.ascd.msk.f32 $0xffff, v10, v16;
	[tilespmem:v61+s26+$0x0] =	vst.idx.msk $0xffff, v11  }
0xbd: {  	(xrf1) =	vsort.ascd.msk.f32 $0xffff, v9, v16;
	v10, v9, _ =	vpop (xrf1);
	v15 =	vld.idx.msk [tilespmem:v6+s23+$0x0], $0xffff  }
0xbe: {  	s31 =	simm.s32 $0xA0;
	v5 =	vshrl.u32 v5, $0xE;
	(xrf1) =	vsort.ascd.msk.f32 $0xffff, v8, v16;
	v11, v8, _ =	vpop (xrf1);
	v14 =	vld.idx.msk [tilespmem:v7+s24+$0x0], $0xffff  }
.LBB2_6:
0xbf: {  	_ =	sdelay $0x5  }
0xc0: {  	v16 =	vld.idx.msk [tilespmem:v9+s25+$0x0], $0xffff;
	(xrf1) =	vsort.ascd.msk.f32 $0xffff, v2, v5  }
0xc1: {  	v17 =	vld.idx.msk [tilespmem:v8+s26+$0x0], $0xffff;
	(xrf1) =	vsort.ascd.msk.f32 $0xffff, v1, v5  }
0xc2: {  	(xrf1) =	vsort.ascd.msk.f32 $0xffff, v4, v5  }
0xc3: {  	v1 =	vmax.f32 v15, v12;
	v2, v4, _ =	vpop (xrf1);
	(xrf1) =	vsort.ascd.msk.f32 $0xffff, v3, v5  }
0xc4: {  	[tilespmem:v6+s23+$0x0] =	vst.idx.msk $0xffff, v1;
	v1 =	vmax.f32 v14, v13  }
0xc5: {  	[tilespmem:v7+s24+$0x0] =	vst.idx.msk $0xffff, v1;
	v1 =	vmax.f32 v16, v10;
	v3, v5, _ =	vpop (xrf1)  }
0xc6: {  	[tilespmem:v9+s25+$0x0] =	vst.idx.msk $0xffff, v1;
	v1 =	vmax.f32 v17, v11;
	v6, v7, _ =	vpop (xrf1)  }
0xc7: {  	[tilespmem:v8+s26+$0x0] =	vst.idx.msk $0xffff, v1;
	v9, v10, _ =	vpop (xrf1)  }
0xc8: {  	v1 =	vld.idx.msk [tilespmem:v4+s23+$0x0], $0xffff  }
0xc9: {  	v8 =	vld.idx.msk [tilespmem:v5+s24+$0x0], $0xffff  }
0xca: {  	v11 =	vld.idx.msk [tilespmem:v7+s25+$0x0], $0xffff  }
0xcb: {  	v12 =	vld.idx.msk [tilespmem:v10+s26+$0x0], $0xffff;
	_ =	sdelay $0x1  }
0xcc: {  	v1 =	vmax.f32 v1, v2  }
0xcd: {  	v2, v13, _ =	vpop (xrf1);
	[tilespmem:v4+s23+$0x0] =	vst.idx.msk $0xffff, v1;
	v1 =	vmax.f32 v8, v3  }
0xce: {  	s0 =	smov.u32 s31;
	v3, v4, _ =	vpop (xrf1);
	[tilespmem:v5+s24+$0x0] =	vst.idx.msk $0xffff, v1;
	v1 =	vmax.f32 v11, v6  }
0xcf: {  	s1 =	rddreg [dreg:$0x3];
	s4 =	sadd.s32 $0x40, s0;
	v5, v6, _ =	vpop (xrf1);
	[tilespmem:v7+s25+$0x0] =	vst.idx.msk $0xffff, v1;
	v1 =	vmax.f32 v12, v9  }
0xd0: {  	s5 =	sadd.s32 $0x50, s0;
	s6 =	sadd.s32 $0x70, s0;
	s7 =	sadd.s32 $0x30, s0;
	v7, v8, _ =	vpop (xrf1);
	[tilespmem:v10+s26+$0x0] =	vst.idx.msk $0xffff, v1  }
0xd1: {  	s20 =	sadd.s32 $0x60, s0;
	s8 =	sadd.s32 s0, s1;
	s21 =	sadd.s32 $0x20, s0;
	v1 =	vld.idx.msk [tilespmem:v13+s23+$0x0], $0xffff  }
0xd2: {  	s9 =	sand.u32 $0x60, s0;
	s0 =	sadd.s32 $0x90, s0;
	s1 =	sand.u32 $0xFF80, s8;
	v9 =	vld.idx.msk [tilespmem:v4+s24+$0x0], $0xffff  }
0xd3: {  	s10 =	sand.u32 $0x60, s20;
	s11 =	sadd.s32 $0x20, s8;
	s5 =	sand.u32 $0x70, s5;
	v10 =	vld.idx.msk [tilespmem:v6+s25+$0x0], $0xffff  }
0xd4: {  	s12 =	sadd.s32 $0x30, s8;
	s13 =	sadd.s32 $0x50, s8;
	s14 =	sadd.s32 $0x60, s8;
	v11 =	vld.idx.msk [tilespmem:v8+s26+$0x0], $0xffff  }
0xd5: {  	s21 =	sand.u32 $0x60, s21;
	s11 =	sand.u32 $0x1FF80, s11;
	s13 =	sand.u32 $0x1FF80, s13  }
0xd6: {  	s14 =	sand.u32 $0x1FF80, s14;
	s11 =	sor.u32 s21, s11;
	s21 =	sor.u32 s5, s13;
	v1 =	vmax.f32 v1, v2  }
0xd7: {  	s13 =	sadd.s32 $0x40, s8;
	s5 =	sor.u32 s10, s14;
	s14 =	sadd.s32 $0x70, s8;
	[tilespmem:v13+s23+$0x0] =	vst.idx.msk $0xffff, v1;
	v1 =	vmax.f32 v9, v3  }
0xd8: {  	s10 =	sand.u32 $0x1FF80, s14;
	s14 =	sadd.s32 $0x80, s8;
	s8 =	sadd.s32 $0x90, s8;
	[tilespmem:v4+s24+$0x0] =	vst.idx.msk $0xffff, v1;
	v1 =	vmax.f32 v10, v5  }
0xd9: {  	s0 =	sand.u32 $0x70, s0;
	s8 =	sand.u32 $0x1FF80, s8;
	[tilespmem:v6+s25+$0x0] =	vst.idx.msk $0xffff, v1;
	v1 =	vmax.f32 v11, v7  }
0xda: {  	s0 =	sor.u32 s0, s8;
	[tilespmem:v8+s26+$0x0] =	vst.idx.msk $0xffff, v1  }
0xdb: {  	s6 =	sand.u32 $0x70, s6;
	s20 =	sor.u32 s9, s1;
	v1 =	vld [tilespmem:s0+$0x16380]  }
0xdc: {  	s6 =	sor.u32 s6, s10;
	v3 =	vld [tilespmem:s20+$0x16380]  }
0xdd: {  	v7 =	vld [tilespmem:s6+$0x16380]  }
0xde: {  	s4 =	sand.u32 $0x60, s4;
	s1 =	sadd.s32 $0x16380, s20;
	s13 =	sand.u32 $0x1FF80, s13;
	v4 =	vld [tilespmem:s11+$0x16380]  }
0xdf: {  	s4 =	sor.u32 s4, s13;
	v2 =	vld [tilespmem:s1+$0x10]  }
0xe0: {  	s7 =	sand.u32 $0x70, s7;
	s12 =	sand.u32 $0x1FF80, s12;
	v17 =	vld [tilespmem:s4+$0x16380];
	v23 =	vand.u32 $0x3FFF, v1  }
0xe1: {  	s7 =	sor.u32 s7, s12;
	v13 =	vld [tilespmem:s5+$0x16380]  }
0xe2: {  	s14 =	sand.u32 $0x1FF80, s14;
	v27 =	vld [tilespmem:s7+$0x16380];
	v8 =	vand.u32 $0x3FFF, v3  }
0xe3: {  	s9 =	sor.u32 s9, s14;
	v16 =	vld [tilespmem:s21+$0x16380];
	v19 =	vand.u32 $0x3FFF, v4  }
0xe4: {  	v6 =	vld [tilespmem:s9+$0x16380];
	v9 =	vand.u32 $0x3FFF, v2  }
0xe5: {  	v20 =	vshrl.u32 v2, $0xE;
	v2 =	vld.idx.msk [tilespmem:v23+s3+$0x0], $0xffff  }
0xe6: {  	v5 =	vshrl.u32 v1, $0xE;
	v1 =	vld.idx.msk [tilespmem:v23+s17+$0x0], $0xffff  }
0xe7: {  	v18 =	vld.idx.msk [tilespmem:v8+s19+$0x0], $0xffff  }
0xe8: {  	v28 =	vld.idx.msk [tilespmem:v19+s18+$0x0], $0xffff  }
0xe9: {  	v21 =	vld.idx.msk [tilespmem:v9+s19+$0x0], $0xffff  }
0xea: {  	v30 =	vld.idx.msk [tilespmem:v9+s18+$0x0], $0xffff  }
0xeb: {  	v22 =	vld.idx.msk [tilespmem:v9+s17+$0x0], $0xffff  }
0xec: {  	v29 =	vand.u32 $0x3FFF, v7;
	v31 =	vld.idx.msk [tilespmem:v19+s17+$0x0], $0xffff  }
0xed: {  	v24 =	vld.idx.msk [tilespmem:v8+s18+$0x0], $0xffff  }
0xee: {  	v10 =	vld.idx.msk [tilespmem:v8+s17+$0x0], $0xffff  }
0xef: {  	v11 =	vand.u32 $0x3FFF, v6;
	v25 =	vld.idx.msk [tilespmem:v8+s3+$0x0], $0xffff  }
0xf0: {  	v33 =	vld.idx.msk [tilespmem:v9+s3+$0x0], $0xffff  }
0xf1: {  	v34 =	vand.u32 $0x3FFF, v27;
	v14 =	vld.idx.msk [tilespmem:v29+s17+$0x0], $0xffff  }
0xf2: {  	v12 =	vld.idx.msk [tilespmem:v29+s19+$0x0], $0xffff  }
0xf3: {  	v15 =	vld.idx.msk [tilespmem:v29+s18+$0x0], $0xffff  }
0xf4: {  	v3 =	vshrl.u32 v3, $0xE;
	v8 =	vld.idx.msk [tilespmem:v11+s19+$0x0], $0xffff  }
0xf5: {  	v9 =	vld.idx.msk [tilespmem:v11+s18+$0x0], $0xffff;
	(xrf1) =	vsort.ascd.msk.f32 $0xffff, v10, v3  }
0xf6: {  	v35 =	vld.idx.msk [tilespmem:v34+s19+$0x0], $0xffff;
	(xrf1) =	vsort.ascd.msk.f32 $0xffff, v24, v3  }
0xf7: {  	v32 =	vand.u32 $0x3FFF, v13;
	v36 =	vld.idx.msk [tilespmem:v34+s18+$0x0], $0xffff;
	(xrf1) =	vsort.ascd.msk.f32 $0xffff, v18, v3  }
0xf8: {  	v38 =	vand.u32 $0x3FFF, v17;
	v37 =	vld.idx.msk [tilespmem:v34+s17+$0x0], $0xffff;
	(xrf1) =	vsort.ascd.msk.f32 $0xffff, v25, v3  }
0xf9: {  	v34 =	vld.idx.msk [tilespmem:v34+s3+$0x0], $0xffff  }
0xfa: {  	v56 =	vld.idx.msk [tilespmem:v19+s19+$0x0], $0xffff  }
0xfb: {  	v26 =	vand.u32 $0x3FFF, v16;
	v57 =	vld.idx.msk [tilespmem:v19+s3+$0x0], $0xffff  }
0xfc: {  	v19 =	vld.idx.msk [tilespmem:v32+s17+$0x0], $0xffff;
	(xrf1) =	vsort.ascd.msk.f32 $0xffff, v22, v20  }
0xfd: {  	v44 =	vld.idx.msk [tilespmem:v38+s3+$0x0], $0xffff  }
0xfe: {  	v10 =	vld.idx.msk [tilespmem:v11+s17+$0x0], $0xffff  }
0xff: {  	v11 =	vld.idx.msk [tilespmem:v11+s3+$0x0], $0xffff;
	(xrf1) =	vsort.ascd.msk.f32 $0xffff, v33, v20  }
0x100: {  	v24 =	vld.idx.msk [tilespmem:v26+s18+$0x0], $0xffff;
	(xrf1) =	vsort.ascd.msk.f32 $0xffff, v30, v20  }
0x101: {  	v18 =	vld.idx.msk [tilespmem:v32+s19+$0x0], $0xffff  }
0x102: {  	v25 =	vld.idx.msk [tilespmem:v26+s17+$0x0], $0xffff;
	(xrf1) =	vsort.ascd.msk.f32 $0xffff, v21, v20  }
0x103: {  	v3 =	vld.idx.msk [tilespmem:v23+s19+$0x0], $0xffff;
	v39, v40, _ =	vpop (xrf1)  }
0x104: {  	v22 =	vld.idx.msk [tilespmem:v26+s19+$0x0], $0xffff;
	v41, v42, _ =	vpop (xrf1)  }
0x105: {  	v26 =	vld.idx.msk [tilespmem:v26+s3+$0x0], $0xffff;
	v58, v43, _ =	vpop (xrf1)  }
0x106: {  	v21 =	vld.idx.msk [tilespmem:v32+s3+$0x0], $0xffff;
	v45, v46, _ =	vpop (xrf1)  }
0x107: {  	v20 =	vld.idx.msk [tilespmem:v32+s18+$0x0], $0xffff  }
0x108: {  	v50 =	vld.idx.msk [tilespmem:v40+s24+$0x0], $0xffff  }
0x109: {  	v4 =	vshrl.u32 v4, $0xE;
	v49 =	vld.idx.msk [tilespmem:v42+s25+$0x0], $0xffff  }
0x10a: {  	v47, v48, _ =	vpop (xrf1);
	(xrf1) =	vsort.ascd.msk.f32 $0xffff, v57, v4;
	v59 =	vld.idx.msk [tilespmem:v46+s23+$0x0], $0xffff  }
0x10b: {  	(xrf1) =	vsort.ascd.msk.f32 $0xffff, v31, v4;
	v31 =	vld.idx.msk [tilespmem:v38+s18+$0x0], $0xffff  }
0x10c: {  	(xrf1) =	vsort.ascd.msk.f32 $0xffff, v28, v4;
	v28 =	vld.idx.msk [tilespmem:v38+s17+$0x0], $0xffff  }
0x10d: {  	v27 =	vshrl.u32 v27, $0xE;
	v51, v52, _ =	vpop (xrf1);
	v60 =	vld.idx.msk [tilespmem:v43+s26+$0x0], $0xffff;
	(xrf1) =	vsort.ascd.msk.f32 $0xffff, v56, v4  }
0x10e: {  	v38 =	vld.idx.msk [tilespmem:v38+s19+$0x0], $0xffff;
	v41 =	vmax.f32 v49, v41;
	v49, v53, _ =	vpop (xrf1);
	(xrf1) =	vsort.ascd.msk.f32 $0xffff, v36, v27  }
0x10f: {  	v4 =	vld.idx.msk [tilespmem:v23+s18+$0x0], $0xffff;
	v30 =	vmax.f32 v59, v45  }
0x110: {  	v23 =	vld.idx.msk [tilespmem:v29+s3+$0x0], $0xffff;
	v61 =	vmax.f32 v50, v39;
	v36, v39, _ =	vpop (xrf1);
	(xrf1) =	vsort.ascd.msk.f32 $0xffff, v35, v27;
	[tilespmem:v46+s23+$0x0] =	vst.idx.msk $0xffff, v30  }
0x111: {  	(xrf1) =	vsort.ascd.msk.f32 $0xffff, v34, v27;
	[tilespmem:v40+s24+$0x0] =	vst.idx.msk $0xffff, v61  }
0x112: {  	v62 =	vmax.f32 v60, v58;
	[tilespmem:v42+s25+$0x0] =	vst.idx.msk $0xffff, v41  }
0x113: {  	[tilespmem:v43+s26+$0x0] =	vst.idx.msk $0xffff, v62  }
0x114: {  	v29 =	vld.idx.msk [tilespmem:v52+s23+$0x0], $0xffff  }
0x115: {  	v63 =	vld.idx.msk [tilespmem:v48+s24+$0x0], $0xffff  }
0x116: {  	v30 =	vld.idx.msk [tilespmem:v53+s25+$0x0], $0xffff  }
0x117: {  	(xrf1) =	vsort.ascd.msk.f32 $0xffff, v37, v27;
	v50 =	vld.idx.msk [tilespmem:v39+s26+$0x0], $0xffff  }
0x118: {  	v32, v33, _ =	vpop (xrf1)  }
0x119: {  	v54, v55, _ =	vpop (xrf1);
	v60 =	vmax.f32 v29, v51  }
0x11a: {  	v56, v57, _ =	vpop (xrf1);
	v27 =	vmax.f32 v63, v47;
	[tilespmem:v52+s23+$0x0] =	vst.idx.msk $0xffff, v60  }
0x11b: {  	v17 =	vshrl.u32 v17, $0xE;
	v58, v59, _ =	vpop (xrf1);
	v61 =	vmax.f32 v30, v49;
	[tilespmem:v48+s24+$0x0] =	vst.idx.msk $0xffff, v27  }
0x11c: {  	v62 =	vmax.f32 v50, v36;
	v29, v45, _ =	vpop (xrf1);
	(xrf1) =	vsort.ascd.msk.f32 $0xffff, v44, v17;
	[tilespmem:v53+s25+$0x0] =	vst.idx.msk $0xffff, v61  }
0x11d: {  	(xrf1) =	vsort.ascd.msk.f32 $0xffff, v28, v17;
	[tilespmem:v39+s26+$0x0] =	vst.idx.msk $0xffff, v62  }
0x11e: {  	v30, v34, _ =	vpop (xrf1);
	(xrf1) =	vsort.ascd.msk.f32 $0xffff, v31, v17;
	v27 =	vld.idx.msk [tilespmem:v33+s23+$0x0], $0xffff  }
0x11f: {  	v49, v50, _ =	vpop (xrf1);
	v63 =	vld.idx.msk [tilespmem:v55+s24+$0x0], $0xffff;
	(xrf1) =	vsort.ascd.msk.f32 $0xffff, v38, v17  }
0x120: {  	v48 =	vld.idx.msk [tilespmem:v57+s25+$0x0], $0xffff  }
0x121: {  	v17 =	vld.idx.msk [tilespmem:v59+s26+$0x0], $0xffff;
	_ =	sdelay $0x1  }
0x122: {  	v27 =	vmax.f32 v27, v32  }
0x123: {  	v53 =	vmax.f32 v63, v54;
	[tilespmem:v33+s23+$0x0] =	vst.idx.msk $0xffff, v27  }
0x124: {  	v52, v51, _ =	vpop (xrf1);
	v54 =	vmax.f32 v48, v56;
	[tilespmem:v55+s24+$0x0] =	vst.idx.msk $0xffff, v53  }
0x125: {  	v16 =	vshrl.u32 v16, $0xE;
	v17 =	vmax.f32 v17, v58;
	[tilespmem:v57+s25+$0x0] =	vst.idx.msk $0xffff, v54  }
0x126: {  	(xrf1) =	vsort.ascd.msk.f32 $0xffff, v26, v16;
	[tilespmem:v59+s26+$0x0] =	vst.idx.msk $0xffff, v17  }
0x127: {  	v17 =	vld.idx.msk [tilespmem:v50+s23+$0x0], $0xffff  }
0x128: {  	v55 =	vld.idx.msk [tilespmem:v51+s24+$0x0], $0xffff  }
0x129: {  	v27 =	vld.idx.msk [tilespmem:v45+s25+$0x0], $0xffff;
	v56, v57, _ =	vpop (xrf1)  }
0x12a: {  	v58 =	vld.idx.msk [tilespmem:v34+s26+$0x0], $0xffff;
	v59, v60, _ =	vpop (xrf1)  }
0x12b: {  	v61, v62, _ =	vpop (xrf1);
	(xrf1) =	vsort.ascd.msk.f32 $0xffff, v25, v16  }
0x12c: {  	v46, v63, _ =	vpop (xrf1);
	(xrf1) =	vsort.ascd.msk.f32 $0xffff, v24, v16;
	v17 =	vmax.f32 v17, v49  }
0x12d: {  	(xrf1) =	vsort.ascd.msk.f32 $0xffff, v22, v16;
	v16 =	vmax.f32 v55, v52;
	[tilespmem:v50+s23+$0x0] =	vst.idx.msk $0xffff, v17  }
0x12e: {  	[tilespmem:v51+s24+$0x0] =	vst.idx.msk $0xffff, v16;
	v16 =	vmax.f32 v27, v29  }
0x12f: {  	[tilespmem:v45+s25+$0x0] =	vst.idx.msk $0xffff, v16;
	v16 =	vmax.f32 v58, v30  }
0x130: {  	[tilespmem:v34+s26+$0x0] =	vst.idx.msk $0xffff, v16  }
0x131: {  	v16 =	vld.idx.msk [tilespmem:v57+s23+$0x0], $0xffff;
	_ =	sdelay $0x1  }
0x132: {  	v13 =	vshrl.u32 v13, $0xE;
	v17 =	vld.idx.msk [tilespmem:v60+s24+$0x0], $0xffff  }
0x133: {  	v48, v49, _ =	vpop (xrf1);
	(xrf1) =	vsort.ascd.msk.f32 $0xffff, v21, v13;
	v47 =	vld.idx.msk [tilespmem:v62+s25+$0x0], $0xffff  }
0x134: {  	(xrf1) =	vsort.ascd.msk.f32 $0xffff, v19, v13;
	v50 =	vld.idx.msk [tilespmem:v63+s26+$0x0], $0xffff  }
0x135: {  	(xrf1) =	vsort.ascd.msk.f32 $0xffff, v20, v13;
	v16 =	vmax.f32 v16, v56  }
0x136: {  	(xrf1) =	vsort.ascd.msk.f32 $0xffff, v18, v13  }
0x137: {  	v13 =	vmax.f32 v17, v59;
	[tilespmem:v57+s23+$0x0] =	vst.idx.msk $0xffff, v16  }
0x138: {  	[tilespmem:v60+s24+$0x0] =	vst.idx.msk $0xffff, v13;
	v13 =	vmax.f32 v47, v61;
	v16, v17, _ =	vpop (xrf1)  }
0x139: {  	[tilespmem:v62+s25+$0x0] =	vst.idx.msk $0xffff, v13;
	v13 =	vmax.f32 v50, v46;
	v52, v51, _ =	vpop (xrf1)  }
0x13a: {  	[tilespmem:v63+s26+$0x0] =	vst.idx.msk $0xffff, v13;
	v54, v53, _ =	vpop (xrf1)  }
0x13b: {  	v13 =	vld.idx.msk [tilespmem:v49+s23+$0x0], $0xffff  }
0x13c: {  	v7 =	vshrl.u32 v7, $0xE;
	v55 =	vld.idx.msk [tilespmem:v17+s24+$0x0], $0xffff  }
0x13d: {  	(xrf1) =	vsort.ascd.msk.f32 $0xffff, v23, v7;
	v56 =	vld.idx.msk [tilespmem:v51+s25+$0x0], $0xffff  }
0x13e: {  	(xrf1) =	vsort.ascd.msk.f32 $0xffff, v14, v7;
	v57 =	vld.idx.msk [tilespmem:v53+s26+$0x0], $0xffff;
	_ =	sdelay $0x1  }
0x13f: {  	(xrf1) =	vsort.ascd.msk.f32 $0xffff, v15, v7;
	v58 =	vmax.f32 v13, v48  }
0x140: {  	v14, v15, _ =	vpop (xrf1);
	(xrf1) =	vsort.ascd.msk.f32 $0xffff, v12, v7;
	[tilespmem:v49+s23+$0x0] =	vst.idx.msk $0xffff, v58;
	v7 =	vmax.f32 v55, v16  }
0x141: {  	v13, v16, _ =	vpop (xrf1);
	[tilespmem:v17+s24+$0x0] =	vst.idx.msk $0xffff, v7;
	v7 =	vmax.f32 v56, v52  }
0x142: {  	v17, v59, _ =	vpop (xrf1);
	[tilespmem:v51+s25+$0x0] =	vst.idx.msk $0xffff, v7;
	v7 =	vmax.f32 v57, v54  }
0x143: {  	v60, v61, _ =	vpop (xrf1);
	[tilespmem:v53+s26+$0x0] =	vst.idx.msk $0xffff, v7  }
0x144: {  	v7 =	vld.idx.msk [tilespmem:v15+s23+$0x0], $0xffff  }
0x145: {  	v21 =	vld.idx.msk [tilespmem:v16+s24+$0x0], $0xffff  }
0x146: {  	v23 =	vld.idx.msk [tilespmem:v59+s25+$0x0], $0xffff  }
0x147: {  	v63 =	vld.idx.msk [tilespmem:v61+s26+$0x0], $0xffff  }
0x148: {  	v62 =	vshrl.u32 v6, $0xE  }
0x149: {  	(xrf1) =	vsort.ascd.msk.f32 $0xffff, v11, v62;
	v11 =	vmax.f32 v7, v14  }
0x14a: {  	p0 =	seq.s32 s31, $0x3DE0;
	v12, v6, _ =	vpop (xrf1);
	v21 =	vmax.f32 v21, v13;
	[tilespmem:v15+s23+$0x0] =	vst.idx.msk $0xffff, v11  }
.Ltmp1:
0x14b: {  	v13, v7, _ =	vpop (xrf1);
	v15 =	vmax.f32 v23, v17;
	[tilespmem:v16+s24+$0x0] =	vst.idx.msk $0xffff, v21;
	(pc) =	sbr.rel @!p0 .LBB2_6-.Ltmp1, $4  }
0x14c: {  	v14 =	vmax.f32 v63, v60;
	[tilespmem:v59+s25+$0x0] =	vst.idx.msk $0xffff, v15  }
0x14d: {  	(xrf1) =	vsort.ascd.msk.f32 $0xffff, v10, v62;
	[tilespmem:v61+s26+$0x0] =	vst.idx.msk $0xffff, v14  }
0x14e: {  	(xrf1) =	vsort.ascd.msk.f32 $0xffff, v9, v62;
	v10, v9, _ =	vpop (xrf1);
	v15 =	vld.idx.msk [tilespmem:v6+s23+$0x0], $0xffff  }
0x14f: {  	s31 =	sadd.s32 $0xA0, s31;
	(xrf1) =	vsort.ascd.msk.f32 $0xffff, v8, v62;
	v11, v8, _ =	vpop (xrf1);
	v14 =	vld.idx.msk [tilespmem:v7+s24+$0x0], $0xffff  }
0x150: {  	_ =	sdelay $0x5  }
0x151: {  	v16 =	vld.idx.msk [tilespmem:v9+s25+$0x0], $0xffff;
	(xrf1) =	vsort.ascd.msk.f32 $0xffff, v2, v5  }
0x152: {  	v2 =	vld.idx.msk [tilespmem:v8+s26+$0x0], $0xffff;
	(xrf1) =	vsort.ascd.msk.f32 $0xffff, v1, v5  }
0x153: {  	(xrf1) =	vsort.ascd.msk.f32 $0xffff, v4, v5  }
0x154: {  	v1 =	vmax.f32 v15, v12;
	(xrf1) =	vsort.ascd.msk.f32 $0xffff, v3, v5  }
0x155: {  	[tilespmem:v6+s23+$0x0] =	vst.idx.msk $0xffff, v1;
	v1 =	vmax.f32 v14, v13;
	v3, v49, _ =	vpop (xrf1)  }
0x156: {  	[tilespmem:v7+s24+$0x0] =	vst.idx.msk $0xffff, v1;
	v1 =	vmax.f32 v16, v10;
	v50, v51, _ =	vpop (xrf1)  }
0x157: {  	[tilespmem:v9+s25+$0x0] =	vst.idx.msk $0xffff, v1;
	v1 =	vmax.f32 v2, v11;
	v52, v53, _ =	vpop (xrf1)  }
0x158: {  	[tilespmem:v8+s26+$0x0] =	vst.idx.msk $0xffff, v1;
	v2, v54, _ =	vpop (xrf1)  }
0x159: {  	v1 =	vld.idx.msk [tilespmem:v49+s23+$0x0], $0xffff  }
0x15a: {  	v8 =	vld.idx.msk [tilespmem:v51+s24+$0x0], $0xffff  }
0x15b: {  	v55 =	vld.idx.msk [tilespmem:v53+s25+$0x0], $0xffff  }
0x15c: {  	v56 =	vld.idx.msk [tilespmem:v54+s26+$0x0], $0xffff;
	_ =	sdelay $0x1  }
0x15d: {  	v1 =	vmax.f32 v1, v3  }
0x15e: {  	v3, v57, _ =	vpop (xrf1);
	[tilespmem:v49+s23+$0x0] =	vst.idx.msk $0xffff, v1;
	v1 =	vmax.f32 v8, v50  }
0x15f: {  	v58, v59, _ =	vpop (xrf1);
	[tilespmem:v51+s24+$0x0] =	vst.idx.msk $0xffff, v1;
	v1 =	vmax.f32 v55, v52  }
0x160: {  	v60, v61, _ =	vpop (xrf1);
	[tilespmem:v53+s25+$0x0] =	vst.idx.msk $0xffff, v1;
	v1 =	vmax.f32 v56, v2  }
0x161: {  	v2, v62, _ =	vpop (xrf1);
	[tilespmem:v54+s26+$0x0] =	vst.idx.msk $0xffff, v1  }
0x162: {  	v1 =	vld.idx.msk [tilespmem:v57+s23+$0x0], $0xffff  }
0x163: {  	v9 =	vld.idx.msk [tilespmem:v59+s24+$0x0], $0xffff  }
0x164: {  	v10 =	vld.idx.msk [tilespmem:v61+s25+$0x0], $0xffff  }
0x165: {  	v63 =	vld.idx.msk [tilespmem:v62+s26+$0x0], $0xffff;
	_ =	sdelay $0x1  }
0x166: {  	v1 =	vmax.f32 v1, v3  }
0x167: {  	[tilespmem:v57+s23+$0x0] =	vst.idx.msk $0xffff, v1;
	v1 =	vmax.f32 v9, v58  }
0x168: {  	[tilespmem:v59+s24+$0x0] =	vst.idx.msk $0xffff, v1;
	v1 =	vmax.f32 v10, v60  }
0x169: {  	[tilespmem:v61+s25+$0x0] =	vst.idx.msk $0xffff, v1;
	v1 =	vmax.f32 v63, v2  }
0x16a: {  	[tilespmem:v62+s26+$0x0] =	vst.idx.msk $0xffff, v1  }
0x16b: {  	p0 =	seq.s32 s30, $0x14  }
.Ltmp2:
0x16c: {  	_ = 	snop;
	(pc) =	sbr.rel @!p0 .LBB2_5-.Ltmp2, $1  }
0x16d: {  	_ =	sdelay $0x3  }
0x16e: {  	s0 =	simm.s32 $0x0  }
0x16f: {  	v1 =	vld [tilespmem:s0+$0x13C00]  }
0x170: {  	v4 =	vld [tilespmem:s0+$0x9E00]  }
0x171: {  	v3 =	vld [tilespmem:s0+$0xC580]  }
0x172: {  	s1 =	simm.s32 $0x40;
	v2 =	vld [tilespmem:s0+$0xED00]  }
.LBB2_9:
0x173: {  	p0 =	sne.s32 s1, $0x9C00;
	v5 =	vld [tilespmem:s0+$0x11480];
	_ =	sdelay $0x1  }
0x174: {  	v6 =	vmul.f32 v4, v1  }
0x175: {  	vm0 =	veq.f32 v4, $-Inf;
	v4 =	vmul.f32 v3, v1  }
.Ltmp3:
0x176: {  	s4 =	sshra.s32 s1, $0x2;
	v6 =	vsel vm0, $0x0, v6;
	vm0 =	veq.f32 v3, $-Inf;
	v3 =	vmul.f32 v2, v1;
	(pc) =	sbr.rel @p0 .LBB2_9-.Ltmp3, $4  }
0x177: {  	[tilespmem:s0+$0x9E00] =	vst v6;
	v6 =	vsel vm0, $0x0, v4;
	vm0 =	veq.f32 v2, $-Inf;
	v2 =	vmul.f32 v5, v1;
	v1 =	vld [tilespmem:s4+$0x13C00]  }
0x178: {  	v4 =	vld [tilespmem:s4+$0x9E00];
	[tilespmem:s0+$0xC580] =	vst v6;
	v6 =	vsel vm0, $0x0, v3;
	vm0 =	veq.f32 v5, $-Inf  }
0x179: {  	v3 =	vld [tilespmem:s4+$0xC580];
	[tilespmem:s0+$0xED00] =	vst v6;
	v5 =	vsel vm0, $0x0, v2  }
0x17a: {  	s1 =	sadd.s32 $0x40, s1;
	v2 =	vld [tilespmem:s4+$0xED00];
	[tilespmem:s0+$0x11480] =	vst v5;
	s0 =	smov.u32 s4  }
0x17b: {  	v5 =	vld [tilespmem:s0+$0x11480];
	_ =	sdelay $0x1  }
0x17c: {  	v6 =	vmul.f32 v4, v1  }
0x17d: {  	vm0 =	veq.f32 v4, $-Inf;
	v63 =	vmul.f32 v3, v1  }
0x17e: {  	vm13 =	veq.f32 v3, $-Inf;
	v6 =	vsel vm0, $0x0, v6;
	v3 =	vmul.f32 v2, v1  }
0x17f: {  	vm14 =	veq.f32 v2, $-Inf;
	[tilespmem:s0+$0x9E00] =	vst v6;
	v4 =	vsel vm13, $0x0, v63;
	v1 =	vmul.f32 v5, v1  }
0x180: {  	vm15 =	veq.f32 v5, $-Inf;
	[tilespmem:s0+$0xC580] =	vst v4;
	v2 =	vsel vm14, $0x0, v3  }
0x181: {  	[tilespmem:s0+$0xED00] =	vst v2;
	v1 =	vsel vm15, $0x0, v1  }
0x182: {  	s14 =	rddreg [dreg:$0x9];
	s1 =	simm.s32 $0x80;
	[tilespmem:s0+$0x11480] =	vst v1  }
0x183: {  	[hbm4b:s14+s1] =	stream.strided.scatter [tilespmem:s23], [sflag:$0x2], $0x2780, s15, s1, $0x38;
	[tilespmem:$0x1E080] =	vst v63  }
0x184: {  	_ =	swait.ge [sflag:s16], $0x2780  }
0x185: {  	[sflag:s16] =	ssyncset.done $0x0  }
0x186: {  	s20 =	rddreg [dreg:$0xa];
	[sflag:s16] =	ssyncadd.s32 $0xFFFFD880  }
0x187: {  	[hbm4b:s20+s1] =	stream.strided.scatter [tilespmem:s24], [sflag:$0x2], $0x2780, s15, s1, $0x38;
	[tilespmem:$0x1E080] =	vst v63  }
0x188: {  	_ =	swait.ge [sflag:s16], $0x2780  }
0x189: {  	[sflag:s16] =	ssyncset.done $0x0  }
0x18a: {  	s21 =	rddreg [dreg:$0xb];
	[sflag:s16] =	ssyncadd.s32 $0xFFFFD880  }
0x18b: {  	[hbm4b:s21+s1] =	stream.strided.scatter [tilespmem:s25], [sflag:$0x2], $0x2780, s15, s1, $0x38;
	[tilespmem:$0x1E080] =	vst v63  }
0x18c: {  	_ =	swait.ge [sflag:s16], $0x2780  }
0x18d: {  	[sflag:s16] =	ssyncset.done $0x0  }
0x18e: {  	s30 =	rddreg [dreg:$0xc];
	[sflag:s16] =	ssyncadd.s32 $0xFFFFD880  }
0x18f: {  	[hbm4b:s30+s1] =	stream.strided.scatter [tilespmem:s26], [sflag:$0x2], $0x2780, s15, s1, $0x38;
	[tilespmem:$0x1E080] =	vst v63  }
0x190: {  	_ =	swait.ge [sflag:s16], $0x2780  }
0x191: {  	s28 =	sadd.s32 $0x1, s28;
	s31 =	rddreg [dreg:$0xd]  }
0x192: {  	p0 =	sne.s32 s28, s31  }
.Ltmp4:
0x193: {  	_ = 	snop;
	(pc) =	sbr.rel @p0 .LBB2_1-.Ltmp4, $3  }
0x194: {  	_ =	sdelay $0x1  }
0x195: {  	[sflag:s16] =	ssyncset.done $0x0  }
0x196: {  	[sflag:s16] =	ssyncadd.s32 $0xFFFFD880  }
0x197: {  	_ =	sfence.sel $0x180000  }
0x198: {  	[bflag:$0x0] =	sbarrier.arrive $0xFFFF  }
0x199: {  	_ =	strace $0x90000047  }
0x19a: {  	s0 =	stileid.u32;
	[bflag:$0x2] =	sbarrier.arrive $0xFFFF  }
0x19b: {  	p0 =	sne.s32 s0, $0x0;
	s0 =	rddreg [dreg:$0x2]  }
0x19c: {  	s0 =	sadd.s32 @!p0 $0x100000, s0  }
0x19d: {  	[sflag:s0] =	ssyncadd.tile.s32 @!p0 $0x1;
	_ =	shalt  }
.Lfunc_end2:
_tile_overlayer_lowered:
.L_overlay_start_2:
0x19e: {  	(tag) =	ssettag $0x2  }
0x19f: {  	s0 =	rddreg [dreg:$0x0];
	s2 =	stileid.u32  }
0x1a0: {  	s1 =	rddreg [dreg:$0x1];
	p0 =	sne.s32 s2, $0x0  }
0x1a1: {  	s3 =	rddreg [dreg:$0x2];
	[bflag:$0x3] =	sbarrier.arrive $0xFFFF;
	s2 =	simm.s32 @!p0 $0x1C02  }
0x1a2: {  	[timem:s3], [sflag:s2] =	dma.local @!p0 [hbm:s0], s1  }
0x1a3: {  	s0 =	simm.s32 @!p0 $0x2  }
0x1a4: {  	_ =	swait.ge @!p0 [sflag:s0], s1  }
0x1a5: {  	s1 =	ssub.s32 @!p0 $0x0, s1;
	[sflag:s0] =	ssyncset.done @!p0 $0x0  }
0x1a6: {  	[sflag:s0] =	ssyncadd.s32 @!p0 s1  }
0x1a7: {  	[bflag:$0x3] =	sbarrier.arrive $0xFFFF  }
0x1a8: {  	_ =	shalt  }

</sc_bundles>
